<compile_context>
chip_gen: v7x
topology: tpu7x:2x2x1
jax: 0.10.2.dev20260603
libtpu: 0.0.44.dev20260713+nightly
codegen_flags: <defaults>
</compile_context>

<pallas_src>
import functools

import jax
import jax.numpy as jnp
from jax import lax
from jax.experimental import pallas as pl
from jax.experimental.pallas import tpu as pltpu
from jax.experimental.pallas import tpu_sc as plsc

_C0 = 0.9993012599197071
_C1 = -0.4846352403277412
_C2 = 0.2518742886002526
_C3 = -0.07389879808291862

_NC = 2
_NS = 16
_NW = _NC * _NS
_L = 16


def _softplus16(v):
    t = jnp.exp(-jnp.abs(v))
    p = jnp.float32(_C3)
    p = p * t + jnp.float32(_C2)
    p = p * t + jnp.float32(_C1)
    p = p * t + jnp.float32(_C0)
    return jnp.maximum(v, 0.0) + p * t


def _neg16(w):
    nan = jnp.full((_L,), jnp.float32(jnp.nan))
    neg = jnp.full((_L,), jnp.float32(-10.0))
    return jnp.where(w == 0.0, nan, neg)


def _make_sc_kernel(M, N, R):
    H = N // 2
    rows_per_w = M // _NW
    n_chunks = rows_per_w // R
    assert n_chunks >= 2 and n_chunks % 2 == 0
    mesh = plsc.VectorSubcoreMesh(core_axis_name="c", subcore_axis_name="s")

    @functools.partial(
        pl.kernel,
        out_type=jax.ShapeDtypeStruct((M, N), jnp.float32),
        mesh=mesh,
        scratch_types=[
            pltpu.VMEM((2 * R, N), jnp.float32),
            pltpu.VMEM((2 * R, N), jnp.float32),
            pltpu.SemaphoreType.DMA,
            pltpu.SemaphoreType.DMA,
            pltpu.SemaphoreType.DMA,
            pltpu.SemaphoreType.DMA,
        ],
    )
    def k(x_hbm, o_hbm, inb, outb, l0, l1, s0, s1):
        wid = lax.axis_index("s") * _NC + lax.axis_index("c")
        base = wid * rows_per_w

        pltpu.async_copy(x_hbm.at[pl.ds(base, R)], inb.at[pl.ds(0, R)], l0)
        pltpu.async_copy(x_hbm.at[pl.ds(base + R, R)], inb.at[pl.ds(R, R)], l1)

        def do_chunk(g, _):
            b = lax.rem(g, 2)
            off = b * R
            row0 = base + g * R

            def wait_load(sem, slot):
                def _w():
                    pltpu.make_async_copy(
                        x_hbm.at[pl.ds(row0, R)], inb.at[pl.ds(slot, R)], sem
                    ).wait()
                return _w

            pl.when(b == 0)(wait_load(l0, 0))
            pl.when(b == 1)(wait_load(l1, R))

            def wait_store(sem, slot):
                def _w():
                    pltpu.make_async_copy(
                        outb.at[pl.ds(slot, R)],
                        o_hbm.at[pl.ds(row0 - 2 * R, R)],
                        sem,
                    ).wait()
                return _w

            pl.when((g >= 2) & (b == 0))(wait_store(s0, 0))
            pl.when((g >= 2) & (b == 1))(wait_store(s1, R))

            def do_row(r, _):
                for j in range(H // _L):
                    v = inb[off + r, pl.ds(j * _L, _L)]
                    outb[off + r, pl.ds(j * _L, _L)] = _softplus16(v)
                for j in range(H // _L):
                    w = inb[off + r, pl.ds(H + j * _L, _L)]
                    outb[off + r, pl.ds(H + j * _L, _L)] = _neg16(w)
                return 0

            lax.fori_loop(0, R, do_row, 0)

            def start_store(sem, slot):
                def _s():
                    pltpu.async_copy(
                        outb.at[pl.ds(slot, R)], o_hbm.at[pl.ds(row0, R)], sem
                    )
                return _s

            pl.when(b == 0)(start_store(s0, 0))
            pl.when(b == 1)(start_store(s1, R))

            def start_load(sem, slot):
                def _s():
                    pltpu.async_copy(
                        x_hbm.at[pl.ds(row0 + 2 * R, R)], inb.at[pl.ds(slot, R)], sem
                    )
                return _s

            pl.when((g + 2 < n_chunks) & (b == 0))(start_load(l0, 0))
            pl.when((g + 2 < n_chunks) & (b == 1))(start_load(l1, R))
            return 0

        lax.fori_loop(0, n_chunks, do_chunk, 0)

        pltpu.make_async_copy(
            outb.at[pl.ds(0, R)],
            o_hbm.at[pl.ds(base + (n_chunks - 2) * R, R)],
            s0,
        ).wait()
        pltpu.make_async_copy(
            outb.at[pl.ds(R, R)],
            o_hbm.at[pl.ds(base + (n_chunks - 1) * R, R)],
            s1,
        ).wait()

    return k


def kernel(x):
    M, N = x.shape
    return _make_sc_kernel(M, N, R=64)(x)

# --- scband reference (transcript-rebuilt; emitter-appended) ---
"""Pipeline reference for scband-geqconstant-48318382080292 (READ-ONLY COPY).

The authoritative reference and input builder live on the scoring server;
editing this copy changes nothing except your own understanding.
"""

import jax, jax.numpy as jnp
import numpy as np

IXS1 = np.arange(0, 128, dtype=np.int64)
IXS_NEG = np.arange(128, 256, dtype=np.int64)
IXS_NOT = np.array([], dtype=np.int64)
THRESHOLD_UPPER = 0.0
THRESHOLD_LOWER = -10.0
FORWARD_TRANSFORM = np.concatenate([IXS1, IXS_NEG])
REVERSE_TRANSFORM = np.argsort(FORWARD_TRANSFORM)


def setup_inputs(seed: int = 0) -> dict:
    key = jax.random.key(seed)
    x = jax.random.normal(key, (16384, 256), dtype=jnp.float32)
    return {"x": x}


def reference(x):
    split1 = x[:, IXS1]
    split2 = x[:, IXS_NEG]
    split3 = x[:, IXS_NOT]
    restricted1 = jax.nn.softplus(split1) + THRESHOLD_UPPER
    restricted2 = jax.lax.stop_gradient(split2 / split2) * THRESHOLD_LOWER
    out = jnp.concatenate((restricted1, restricted2, split3), axis=1)
    return out[:, REVERSE_TRANSFORM]

if __name__ == "__main__":
    import jax
    _d = setup_inputs()
    print(jax.jit(kernel)(*tuple(_d.values())))

</pallas_src>

<mosaic_0001>
#map = affine_map<(d0, d1) -> (0, 0)>
module attributes {stable_mosaic.version = 14 : i64} {
  func.func @k(%arg0: i32, %arg1: i32, %arg2: memref<16384x256xf32, #tpu.memory_space<hbm>>, %arg3: memref<16384x256xf32, #tpu.memory_space<hbm>>, %arg4: memref<128x256xf32, #tpu.memory_space<vmem>>, %arg5: memref<128x256xf32, #tpu.memory_space<vmem>>, %arg6: memref<!tpu.dma_semaphore, #tpu.memory_space<semaphore_mem>>, %arg7: memref<!tpu.dma_semaphore, #tpu.memory_space<semaphore_mem>>, %arg8: memref<!tpu.dma_semaphore, #tpu.memory_space<semaphore_mem>>, %arg9: memref<!tpu.dma_semaphore, #tpu.memory_space<semaphore_mem>>) attributes {dimension_semantics = [#tpu.dimension_semantics<core_parallel>, #tpu.dimension_semantics<subcore_parallel>], iteration_bounds = array<i64: 2, 16>, scalar_prefetch = 0 : i64, scratch_operands = 6 : i64, tpu.core_type = #tpu.core_type<sc_vector_subcore>, window_params = [{transform_indices = #map}, {transform_indices = #map}]} {
    %mul3A = arith.constant 2 : i32
    %mul3A_0 = arith.muli %arg1, %mul3A : i32
    %add3A = arith.addi %mul3A_0, %arg0 : i32
    %mul3A_1 = arith.constant 512 : i32
    %mul3A_2 = arith.muli %add3A, %mul3A_1 : i32
    %dma_start3A = arith.constant 0 : i32
    %dma_start3A_3 = arith.constant 0 : i32
    %dma_start3A_4 = tpu.memref_slice %arg4[%dma_start3A, %dma_start3A_3] : memref<128x256xf32, #tpu.memory_space<vmem>> -> memref<64x256xf32, #tpu.memory_space<vmem>>
    %dma_start3A_5 = arith.constant 0 : i32
    %dma_start3A_6 = tpu.memref_slice %arg2[%mul3A_2, %dma_start3A_5] : memref<16384x256xf32, #tpu.memory_space<hbm>> -> memref<64x256xf32, #tpu.memory_space<hbm>>
    %dma_start3A_7 = arith.constant 0 : i32
    %dma_start3A_8 = arith.constant 0 : i32
    %dma_start3A_9 = tpu.memref_slice %arg4[%dma_start3A_7, %dma_start3A_8] : memref<128x256xf32, #tpu.memory_space<vmem>> -> memref<64x256xf32, #tpu.memory_space<vmem>>
    %dma_start3A_10 = arith.constant 0 : i32
    %dma_start3A_11 = tpu.memref_slice %arg2[%mul3A_2, %dma_start3A_10] : memref<16384x256xf32, #tpu.memory_space<hbm>> -> memref<64x256xf32, #tpu.memory_space<hbm>>
    tpu.enqueue_dma source(%dma_start3A_11 : memref<64x256xf32, #tpu.memory_space<hbm>>) target(%dma_start3A_9 : memref<64x256xf32, #tpu.memory_space<vmem>>) target_semaphore(%arg6 : memref<!tpu.dma_semaphore, #tpu.memory_space<semaphore_mem>>)
    %add3A_12 = arith.constant 64 : i32
    %add3A_13 = arith.addi %mul3A_2, %add3A_12 : i32
    %dma_start3A_14 = arith.constant 64 : i32
    %dma_start3A_15 = arith.constant 0 : i32
    %dma_start3A_16 = tpu.memref_slice %arg4[%dma_start3A_14, %dma_start3A_15] : memref<128x256xf32, #tpu.memory_space<vmem>> -> memref<64x256xf32, #tpu.memory_space<vmem>>
    %dma_start3A_17 = arith.constant 0 : i32
    %dma_start3A_18 = tpu.memref_slice %arg2[%add3A_13, %dma_start3A_17] : memref<16384x256xf32, #tpu.memory_space<hbm>> -> memref<64x256xf32, #tpu.memory_space<hbm>>
    %dma_start3A_19 = arith.constant 64 : i32
    %dma_start3A_20 = arith.constant 0 : i32
    %dma_start3A_21 = tpu.memref_slice %arg4[%dma_start3A_19, %dma_start3A_20] : memref<128x256xf32, #tpu.memory_space<vmem>> -> memref<64x256xf32, #tpu.memory_space<vmem>>
    %dma_start3A_22 = arith.constant 0 : i32
    %dma_start3A_23 = tpu.memref_slice %arg2[%add3A_13, %dma_start3A_22] : memref<16384x256xf32, #tpu.memory_space<hbm>> -> memref<64x256xf32, #tpu.memory_space<hbm>>
    tpu.enqueue_dma source(%dma_start3A_23 : memref<64x256xf32, #tpu.memory_space<hbm>>) target(%dma_start3A_21 : memref<64x256xf32, #tpu.memory_space<vmem>>) target_semaphore(%arg7 : memref<!tpu.dma_semaphore, #tpu.memory_space<semaphore_mem>>)
    %scan3A = arith.constant 0 : i32
    %scan3A_24 = arith.constant 0 : i32
    %scan3A_25 = arith.constant 8 : i32
    %scan3A_26 = arith.addi %scan3A_24, %scan3A_25 : i32
    %scan3A_27 = arith.constant 1 : i32
    %scan3A_28 = scf.for %scan3A_53 = %scan3A_24 to %scan3A_26 step %scan3A_27 iter_args(%scan3A_54 = %scan3A) -> (i32)  : i32 {
      %rem3A = arith.constant 2 : i32
      %rem3A_55 = arith.remsi %scan3A_53, %rem3A : i32
      %mul3A_56 = arith.constant 64 : i32
      %mul3A_57 = arith.muli %rem3A_55, %mul3A_56 : i32
      %mul3A_58 = arith.constant 64 : i32
      %mul3A_59 = arith.muli %scan3A_53, %mul3A_58 : i32
      %add3A_60 = arith.addi %mul3A_2, %mul3A_59 : i32
      %eq3A = arith.constant 0 : i32
      %eq3A_61 = arith.cmpi eq, %rem3A_55, %eq3A : i32
      %convert_element_type3A = arith.extui %eq3A_61 : i1 to i32
      %cond3A = arith.constant 0 : i32
      %cond3A_62 = arith.cmpi ne, %convert_element_type3A, %cond3A : i32
      scf.if %cond3A_62 {
        %dma_wait3A_119 = arith.constant 0 : i32
        %dma_wait3A_120 = arith.constant 0 : i32
        %dma_wait3A_121 = tpu.memref_slice %arg4[%dma_wait3A_119, %dma_wait3A_120] : memref<128x256xf32, #tpu.memory_space<vmem>> -> memref<64x256xf32, #tpu.memory_space<vmem>>
        %dma_wait3A_122 = arith.constant 0 : i32
        %dma_wait3A_123 = tpu.memref_slice %arg2[%add3A_60, %dma_wait3A_122] : memref<16384x256xf32, #tpu.memory_space<hbm>> -> memref<64x256xf32, #tpu.memory_space<hbm>>
        %dma_wait3A_124 = arith.constant 0 : i32
        %dma_wait3A_125 = arith.constant 0 : i32
        %dma_wait3A_126 = tpu.memref_slice %arg4[%dma_wait3A_124, %dma_wait3A_125] : memref<128x256xf32, #tpu.memory_space<vmem>> -> memref<64x256xf32, #tpu.memory_space<vmem>>
        %dma_wait3A_127 = arith.constant 0 : i32
        %dma_wait3A_128 = tpu.memref_slice %arg2[%add3A_60, %dma_wait3A_127] : memref<16384x256xf32, #tpu.memory_space<hbm>> -> memref<64x256xf32, #tpu.memory_space<hbm>>
        tpu.wait_dma2 semaphore(%arg6 : memref<!tpu.dma_semaphore, #tpu.memory_space<semaphore_mem>>) src(%dma_wait3A_128 : memref<64x256xf32, #tpu.memory_space<hbm>>) dst(%dma_wait3A_126 : memref<64x256xf32, #tpu.memory_space<vmem>>)
      } else {
      }
      %eq3A_63 = arith.constant 1 : i32
      %eq3A_64 = arith.cmpi eq, %rem3A_55, %eq3A_63 : i32
      %convert_element_type3A_65 = arith.extui %eq3A_64 : i1 to i32
      %cond3A_66 = arith.constant 0 : i32
      %cond3A_67 = arith.cmpi ne, %convert_element_type3A_65, %cond3A_66 : i32
      scf.if %cond3A_67 {
        %dma_wait3A_119 = arith.constant 64 : i32
        %dma_wait3A_120 = arith.constant 0 : i32
        %dma_wait3A_121 = tpu.memref_slice %arg4[%dma_wait3A_119, %dma_wait3A_120] : memref<128x256xf32, #tpu.memory_space<vmem>> -> memref<64x256xf32, #tpu.memory_space<vmem>>
        %dma_wait3A_122 = arith.constant 0 : i32
        %dma_wait3A_123 = tpu.memref_slice %arg2[%add3A_60, %dma_wait3A_122] : memref<16384x256xf32, #tpu.memory_space<hbm>> -> memref<64x256xf32, #tpu.memory_space<hbm>>
        %dma_wait3A_124 = arith.constant 64 : i32
        %dma_wait3A_125 = arith.constant 0 : i32
        %dma_wait3A_126 = tpu.memref_slice %arg4[%dma_wait3A_124, %dma_wait3A_125] : memref<128x256xf32, #tpu.memory_space<vmem>> -> memref<64x256xf32, #tpu.memory_space<vmem>>
        %dma_wait3A_127 = arith.constant 0 : i32
        %dma_wait3A_128 = tpu.memref_slice %arg2[%add3A_60, %dma_wait3A_127] : memref<16384x256xf32, #tpu.memory_space<hbm>> -> memref<64x256xf32, #tpu.memory_space<hbm>>
        tpu.wait_dma2 semaphore(%arg7 : memref<!tpu.dma_semaphore, #tpu.memory_space<semaphore_mem>>) src(%dma_wait3A_128 : memref<64x256xf32, #tpu.memory_space<hbm>>) dst(%dma_wait3A_126 : memref<64x256xf32, #tpu.memory_space<vmem>>)
      } else {
      }
      %ge3A = arith.constant 2 : i32
      %ge3A_68 = arith.cmpi sge, %scan3A_53, %ge3A : i32
      %eq3A_69 = arith.constant 0 : i32
      %eq3A_70 = arith.cmpi eq, %rem3A_55, %eq3A_69 : i32
      %and3A = arith.andi %ge3A_68, %eq3A_70 : i1
      %convert_element_type3A_71 = arith.extui %and3A : i1 to i32
      %cond3A_72 = arith.constant 0 : i32
      %cond3A_73 = arith.cmpi ne, %convert_element_type3A_71, %cond3A_72 : i32
      scf.if %cond3A_73 {
        %sub3A = arith.constant 128 : i32
        %sub3A_119 = arith.subi %add3A_60, %sub3A : i32
        %dma_wait3A_120 = arith.constant 0 : i32
        %dma_wait3A_121 = arith.constant 0 : i32
        %dma_wait3A_122 = tpu.memref_slice %arg5[%dma_wait3A_120, %dma_wait3A_121] : memref<128x256xf32, #tpu.memory_space<vmem>> -> memref<64x256xf32, #tpu.memory_space<vmem>>
        %dma_wait3A_123 = arith.constant 0 : i32
        %dma_wait3A_124 = tpu.memref_slice %arg3[%sub3A_119, %dma_wait3A_123] : memref<16384x256xf32, #tpu.memory_space<hbm>> -> memref<64x256xf32, #tpu.memory_space<hbm>>
        %dma_wait3A_125 = arith.constant 0 : i32
        %dma_wait3A_126 = tpu.memref_slice %arg3[%sub3A_119, %dma_wait3A_125] : memref<16384x256xf32, #tpu.memory_space<hbm>> -> memref<64x256xf32, #tpu.memory_space<hbm>>
        %dma_wait3A_127 = arith.constant 0 : i32
        %dma_wait3A_128 = arith.constant 0 : i32
        %dma_wait3A_129 = tpu.memref_slice %arg5[%dma_wait3A_127, %dma_wait3A_128] : memref<128x256xf32, #tpu.memory_space<vmem>> -> memref<64x256xf32, #tpu.memory_space<vmem>>
        tpu.wait_dma2 semaphore(%arg8 : memref<!tpu.dma_semaphore, #tpu.memory_space<semaphore_mem>>) src(%dma_wait3A_129 : memref<64x256xf32, #tpu.memory_space<vmem>>) dst(%dma_wait3A_126 : memref<64x256xf32, #tpu.memory_space<hbm>>)
      } else {
      }
      %ge3A_74 = arith.constant 2 : i32
      %ge3A_75 = arith.cmpi sge, %scan3A_53, %ge3A_74 : i32
      %eq3A_76 = arith.constant 1 : i32
      %eq3A_77 = arith.cmpi eq, %rem3A_55, %eq3A_76 : i32
      %and3A_78 = arith.andi %ge3A_75, %eq3A_77 : i1
      %convert_element_type3A_79 = arith.extui %and3A_78 : i1 to i32
      %cond3A_80 = arith.constant 0 : i32
      %cond3A_81 = arith.cmpi ne, %convert_element_type3A_79, %cond3A_80 : i32
      scf.if %cond3A_81 {
        %sub3A = arith.constant 128 : i32
        %sub3A_119 = arith.subi %add3A_60, %sub3A : i32
        %dma_wait3A_120 = arith.constant 64 : i32
        %dma_wait3A_121 = arith.constant 0 : i32
        %dma_wait3A_122 = tpu.memref_slice %arg5[%dma_wait3A_120, %dma_wait3A_121] : memref<128x256xf32, #tpu.memory_space<vmem>> -> memref<64x256xf32, #tpu.memory_space<vmem>>
        %dma_wait3A_123 = arith.constant 0 : i32
        %dma_wait3A_124 = tpu.memref_slice %arg3[%sub3A_119, %dma_wait3A_123] : memref<16384x256xf32, #tpu.memory_space<hbm>> -> memref<64x256xf32, #tpu.memory_space<hbm>>
        %dma_wait3A_125 = arith.constant 0 : i32
        %dma_wait3A_126 = tpu.memref_slice %arg3[%sub3A_119, %dma_wait3A_125] : memref<16384x256xf32, #tpu.memory_space<hbm>> -> memref<64x256xf32, #tpu.memory_space<hbm>>
        %dma_wait3A_127 = arith.constant 64 : i32
        %dma_wait3A_128 = arith.constant 0 : i32
        %dma_wait3A_129 = tpu.memref_slice %arg5[%dma_wait3A_127, %dma_wait3A_128] : memref<128x256xf32, #tpu.memory_space<vmem>> -> memref<64x256xf32, #tpu.memory_space<vmem>>
        tpu.wait_dma2 semaphore(%arg9 : memref<!tpu.dma_semaphore, #tpu.memory_space<semaphore_mem>>) src(%dma_wait3A_129 : memref<64x256xf32, #tpu.memory_space<vmem>>) dst(%dma_wait3A_126 : memref<64x256xf32, #tpu.memory_space<hbm>>)
      } else {
      }
      %scan3A_82 = arith.constant 0 : i32
      %scan3A_83 = arith.constant 0 : i32
      %scan3A_84 = arith.constant 64 : i32
      %scan3A_85 = arith.addi %scan3A_83, %scan3A_84 : i32
      %scan3A_86 = arith.constant 1 : i32
      %scan3A_87 = scf.for %scan3A_119 = %scan3A_83 to %scan3A_85 step %scan3A_86 iter_args(%scan3A_120 = %scan3A_82) -> (i32)  : i32 {
        %add3A_121 = arith.addi %mul3A_57, %scan3A_119 : i32
        %get3A = arith.index_cast %add3A_121 : i32 to index
        %get3A_122 = arith.constant 0 : index
        %get3A_123 = tpu.vector_load %arg4[%get3A, %get3A_122] {strides = array<i32>} : memref<128x256xf32, #tpu.memory_space<vmem>>, vector<1x16xf32>,
        %get3A_124 = vector.shape_cast %get3A_123 : vector<1x16xf32> to vector<16xf32>
        %abs3A = math.absf %get3A_124 : vector<16xf32>
        %neg3A = arith.constant 0.000000e+00 : f32
        %neg3A_125 = vector.broadcast %neg3A : f32 to vector<16xf32>
        %neg3A_126 = arith.subf %neg3A_125, %abs3A : vector<16xf32>
        %exp3A = math.exp %neg3A_126 : vector<16xf32>
        %mul3A_127 = arith.constant -7.389880e-02 : f32
        %mul3A_128 = vector.broadcast %mul3A_127 : f32 to vector<16xf32>
        %mul3A_129 = arith.mulf %mul3A_128, %exp3A : vector<16xf32>
        %add3A_130 = arith.constant 0.251874298 : f32
        %add3A_131 = vector.broadcast %add3A_130 : f32 to vector<16xf32>
        %add3A_132 = arith.addf %mul3A_129, %add3A_131 : vector<16xf32>
        %mul3A_133 = arith.mulf %add3A_132, %exp3A : vector<16xf32>
        %add3A_134 = arith.constant -0.484635234 : f32
        %add3A_135 = vector.broadcast %add3A_134 : f32 to vector<16xf32>
        %add3A_136 = arith.addf %mul3A_133, %add3A_135 : vector<16xf32>
        %mul3A_137 = arith.mulf %add3A_136, %exp3A : vector<16xf32>
        %add3A_138 = arith.constant 0.999301254 : f32
        %add3A_139 = vector.broadcast %add3A_138 : f32 to vector<16xf32>
        %add3A_140 = arith.addf %mul3A_137, %add3A_139 : vector<16xf32>
        %max3A = arith.constant 0.000000e+00 : f32
        %max3A_141 = vector.broadcast %max3A : f32 to vector<16xf32>
        %max3A_142 = arith.maximumf %get3A_124, %max3A_141 : vector<16xf32>
        %mul3A_143 = arith.mulf %add3A_140, %exp3A : vector<16xf32>
        %add3A_144 = arith.addf %max3A_142, %mul3A_143 : vector<16xf32>
        %add3A_145 = arith.addi %mul3A_57, %scan3A_119 : i32
        %swap3A = arith.index_cast %add3A_145 : i32 to index
        %swap3A_146 = arith.constant 0 : index
        %swap3A_147 = tpu.vector_load %arg5[%swap3A, %swap3A_146] {strides = array<i32>} : memref<128x256xf32, #tpu.memory_space<vmem>>, vector<1x16xf32>,
        %swap3A_148 = vector.shape_cast %swap3A_147 : vector<1x16xf32> to vector<16xf32>
        %swap3A_149 = vector.shape_cast %add3A_144 : vector<16xf32> to vector<1x16xf32>
        tpu.vector_store %arg5[%swap3A, %swap3A_146], %swap3A_149 {strides = array<i32>} : memref<128x256xf32, #tpu.memory_space<vmem>>, vector<1x16xf32>,
        %add3A_150 = arith.addi %mul3A_57, %scan3A_119 : i32
        %get3A_151 = arith.index_cast %add3A_150 : i32 to index
        %get3A_152 = arith.constant 16 : index
        %get3A_153 = tpu.vector_load %arg4[%get3A_151, %get3A_152] {strides = array<i32>} : memref<128x256xf32, #tpu.memory_space<vmem>>, vector<1x16xf32>,
        %get3A_154 = vector.shape_cast %get3A_153 : vector<1x16xf32> to vector<16xf32>
        %abs3A_155 = math.absf %get3A_154 : vector<16xf32>
        %neg3A_156 = arith.constant 0.000000e+00 : f32
        %neg3A_157 = vector.broadcast %neg3A_156 : f32 to vector<16xf32>
        %neg3A_158 = arith.subf %neg3A_157, %abs3A_155 : vector<16xf32>
        %exp3A_159 = math.exp %neg3A_158 : vector<16xf32>
        %mul3A_160 = arith.constant -7.389880e-02 : f32
        %mul3A_161 = vector.broadcast %mul3A_160 : f32 to vector<16xf32>
        %mul3A_162 = arith.mulf %mul3A_161, %exp3A_159 : vector<16xf32>
        %add3A_163 = arith.constant 0.251874298 : f32
        %add3A_164 = vector.broadcast %add3A_163 : f32 to vector<16xf32>
        %add3A_165 = arith.addf %mul3A_162, %add3A_164 : vector<16xf32>
        %mul3A_166 = arith.mulf %add3A_165, %exp3A_159 : vector<16xf32>
        %add3A_167 = arith.constant -0.484635234 : f32
        %add3A_168 = vector.broadcast %add3A_167 : f32 to vector<16xf32>
        %add3A_169 = arith.addf %mul3A_166, %add3A_168 : vector<16xf32>
        %mul3A_170 = arith.mulf %add3A_169, %exp3A_159 : vector<16xf32>
        %add3A_171 = arith.constant 0.999301254 : f32
        %add3A_172 = vector.broadcast %add3A_171 : f32 to vector<16xf32>
        %add3A_173 = arith.addf %mul3A_170, %add3A_172 : vector<16xf32>
        %max3A_174 = arith.constant 0.000000e+00 : f32
        %max3A_175 = vector.broadcast %max3A_174 : f32 to vector<16xf32>
        %max3A_176 = arith.maximumf %get3A_154, %max3A_175 : vector<16xf32>
        %mul3A_177 = arith.mulf %add3A_173, %exp3A_159 : vector<16xf32>
        %add3A_178 = arith.addf %max3A_176, %mul3A_177 : vector<16xf32>
        %add3A_179 = arith.addi %mul3A_57, %scan3A_119 : i32
        %swap3A_180 = arith.index_cast %add3A_179 : i32 to index
        %swap3A_181 = arith.constant 16 : index
        %swap3A_182 = tpu.vector_load %arg5[%swap3A_180, %swap3A_181] {strides = array<i32>} : memref<128x256xf32, #tpu.memory_space<vmem>>, vector<1x16xf32>,
        %swap3A_183 = vector.shape_cast %swap3A_182 : vector<1x16xf32> to vector<16xf32>
        %swap3A_184 = vector.shape_cast %add3A_178 : vector<16xf32> to vector<1x16xf32>
        tpu.vector_store %arg5[%swap3A_180, %swap3A_181], %swap3A_184 {strides = array<i32>} : memref<128x256xf32, #tpu.memory_space<vmem>>, vector<1x16xf32>,
        %add3A_185 = arith.addi %mul3A_57, %scan3A_119 : i32
        %get3A_186 = arith.index_cast %add3A_185 : i32 to index
        %get3A_187 = arith.constant 32 : index
        %get3A_188 = tpu.vector_load %arg4[%get3A_186, %get3A_187] {strides = array<i32>} : memref<128x256xf32, #tpu.memory_space<vmem>>, vector<1x16xf32>,
        %get3A_189 = vector.shape_cast %get3A_188 : vector<1x16xf32> to vector<16xf32>
        %abs3A_190 = math.absf %get3A_189 : vector<16xf32>
        %neg3A_191 = arith.constant 0.000000e+00 : f32
        %neg3A_192 = vector.broadcast %neg3A_191 : f32 to vector<16xf32>
        %neg3A_193 = arith.subf %neg3A_192, %abs3A_190 : vector<16xf32>
        %exp3A_194 = math.exp %neg3A_193 : vector<16xf32>
        %mul3A_195 = arith.constant -7.389880e-02 : f32
        %mul3A_196 = vector.broadcast %mul3A_195 : f32 to vector<16xf32>
        %mul3A_197 = arith.mulf %mul3A_196, %exp3A_194 : vector<16xf32>
        %add3A_198 = arith.constant 0.251874298 : f32
        %add3A_199 = vector.broadcast %add3A_198 : f32 to vector<16xf32>
        %add3A_200 = arith.addf %mul3A_197, %add3A_199 : vector<16xf32>
        %mul3A_201 = arith.mulf %add3A_200, %exp3A_194 : vector<16xf32>
        %add3A_202 = arith.constant -0.484635234 : f32
        %add3A_203 = vector.broadcast %add3A_202 : f32 to vector<16xf32>
        %add3A_204 = arith.addf %mul3A_201, %add3A_203 : vector<16xf32>
        %mul3A_205 = arith.mulf %add3A_204, %exp3A_194 : vector<16xf32>
        %add3A_206 = arith.constant 0.999301254 : f32
        %add3A_207 = vector.broadcast %add3A_206 : f32 to vector<16xf32>
        %add3A_208 = arith.addf %mul3A_205, %add3A_207 : vector<16xf32>
        %max3A_209 = arith.constant 0.000000e+00 : f32
        %max3A_210 = vector.broadcast %max3A_209 : f32 to vector<16xf32>
        %max3A_211 = arith.maximumf %get3A_189, %max3A_210 : vector<16xf32>
        %mul3A_212 = arith.mulf %add3A_208, %exp3A_194 : vector<16xf32>
        %add3A_213 = arith.addf %max3A_211, %mul3A_212 : vector<16xf32>
        %add3A_214 = arith.addi %mul3A_57, %scan3A_119 : i32
        %swap3A_215 = arith.index_cast %add3A_214 : i32 to index
        %swap3A_216 = arith.constant 32 : index
        %swap3A_217 = tpu.vector_load %arg5[%swap3A_215, %swap3A_216] {strides = array<i32>} : memref<128x256xf32, #tpu.memory_space<vmem>>, vector<1x16xf32>,
        %swap3A_218 = vector.shape_cast %swap3A_217 : vector<1x16xf32> to vector<16xf32>
        %swap3A_219 = vector.shape_cast %add3A_213 : vector<16xf32> to vector<1x16xf32>
        tpu.vector_store %arg5[%swap3A_215, %swap3A_216], %swap3A_219 {strides = array<i32>} : memref<128x256xf32, #tpu.memory_space<vmem>>, vector<1x16xf32>,
        %add3A_220 = arith.addi %mul3A_57, %scan3A_119 : i32
        %get3A_221 = arith.index_cast %add3A_220 : i32 to index
        %get3A_222 = arith.constant 48 : index
        %get3A_223 = tpu.vector_load %arg4[%get3A_221, %get3A_222] {strides = array<i32>} : memref<128x256xf32, #tpu.memory_space<vmem>>, vector<1x16xf32>,
        %get3A_224 = vector.shape_cast %get3A_223 : vector<1x16xf32> to vector<16xf32>
        %abs3A_225 = math.absf %get3A_224 : vector<16xf32>
        %neg3A_226 = arith.constant 0.000000e+00 : f32
        %neg3A_227 = vector.broadcast %neg3A_226 : f32 to vector<16xf32>
        %neg3A_228 = arith.subf %neg3A_227, %abs3A_225 : vector<16xf32>
        %exp3A_229 = math.exp %neg3A_228 : vector<16xf32>
        %mul3A_230 = arith.constant -7.389880e-02 : f32
        %mul3A_231 = vector.broadcast %mul3A_230 : f32 to vector<16xf32>
        %mul3A_232 = arith.mulf %mul3A_231, %exp3A_229 : vector<16xf32>
        %add3A_233 = arith.constant 0.251874298 : f32
        %add3A_234 = vector.broadcast %add3A_233 : f32 to vector<16xf32>
        %add3A_235 = arith.addf %mul3A_232, %add3A_234 : vector<16xf32>
        %mul3A_236 = arith.mulf %add3A_235, %exp3A_229 : vector<16xf32>
        %add3A_237 = arith.constant -0.484635234 : f32
        %add3A_238 = vector.broadcast %add3A_237 : f32 to vector<16xf32>
        %add3A_239 = arith.addf %mul3A_236, %add3A_238 : vector<16xf32>
        %mul3A_240 = arith.mulf %add3A_239, %exp3A_229 : vector<16xf32>
        %add3A_241 = arith.constant 0.999301254 : f32
        %add3A_242 = vector.broadcast %add3A_241 : f32 to vector<16xf32>
        %add3A_243 = arith.addf %mul3A_240, %add3A_242 : vector<16xf32>
        %max3A_244 = arith.constant 0.000000e+00 : f32
        %max3A_245 = vector.broadcast %max3A_244 : f32 to vector<16xf32>
        %max3A_246 = arith.maximumf %get3A_224, %max3A_245 : vector<16xf32>
        %mul3A_247 = arith.mulf %add3A_243, %exp3A_229 : vector<16xf32>
        %add3A_248 = arith.addf %max3A_246, %mul3A_247 : vector<16xf32>
        %add3A_249 = arith.addi %mul3A_57, %scan3A_119 : i32
        %swap3A_250 = arith.index_cast %add3A_249 : i32 to index
        %swap3A_251 = arith.constant 48 : index
        %swap3A_252 = tpu.vector_load %arg5[%swap3A_250, %swap3A_251] {strides = array<i32>} : memref<128x256xf32, #tpu.memory_space<vmem>>, vector<1x16xf32>,
        %swap3A_253 = vector.shape_cast %swap3A_252 : vector<1x16xf32> to vector<16xf32>
        %swap3A_254 = vector.shape_cast %add3A_248 : vector<16xf32> to vector<1x16xf32>
        tpu.vector_store %arg5[%swap3A_250, %swap3A_251], %swap3A_254 {strides = array<i32>} : memref<128x256xf32, #tpu.memory_space<vmem>>, vector<1x16xf32>,
        %add3A_255 = arith.addi %mul3A_57, %scan3A_119 : i32
        %get3A_256 = arith.index_cast %add3A_255 : i32 to index
        %get3A_257 = arith.constant 64 : index
        %get3A_258 = tpu.vector_load %arg4[%get3A_256, %get3A_257] {strides = array<i32>} : memref<128x256xf32, #tpu.memory_space<vmem>>, vector<1x16xf32>,
        %get3A_259 = vector.shape_cast %get3A_258 : vector<1x16xf32> to vector<16xf32>
        %abs3A_260 = math.absf %get3A_259 : vector<16xf32>
        %neg3A_261 = arith.constant 0.000000e+00 : f32
        %neg3A_262 = vector.broadcast %neg3A_261 : f32 to vector<16xf32>
        %neg3A_263 = arith.subf %neg3A_262, %abs3A_260 : vector<16xf32>
        %exp3A_264 = math.exp %neg3A_263 : vector<16xf32>
        %mul3A_265 = arith.constant -7.389880e-02 : f32
        %mul3A_266 = vector.broadcast %mul3A_265 : f32 to vector<16xf32>
        %mul3A_267 = arith.mulf %mul3A_266, %exp3A_264 : vector<16xf32>
        %add3A_268 = arith.constant 0.251874298 : f32
        %add3A_269 = vector.broadcast %add3A_268 : f32 to vector<16xf32>
        %add3A_270 = arith.addf %mul3A_267, %add3A_269 : vector<16xf32>
        %mul3A_271 = arith.mulf %add3A_270, %exp3A_264 : vector<16xf32>
        %add3A_272 = arith.constant -0.484635234 : f32
        %add3A_273 = vector.broadcast %add3A_272 : f32 to vector<16xf32>
        %add3A_274 = arith.addf %mul3A_271, %add3A_273 : vector<16xf32>
        %mul3A_275 = arith.mulf %add3A_274, %exp3A_264 : vector<16xf32>
        %add3A_276 = arith.constant 0.999301254 : f32
        %add3A_277 = vector.broadcast %add3A_276 : f32 to vector<16xf32>
        %add3A_278 = arith.addf %mul3A_275, %add3A_277 : vector<16xf32>
        %max3A_279 = arith.constant 0.000000e+00 : f32
        %max3A_280 = vector.broadcast %max3A_279 : f32 to vector<16xf32>
        %max3A_281 = arith.maximumf %get3A_259, %max3A_280 : vector<16xf32>
        %mul3A_282 = arith.mulf %add3A_278, %exp3A_264 : vector<16xf32>
        %add3A_283 = arith.addf %max3A_281, %mul3A_282 : vector<16xf32>
        %add3A_284 = arith.addi %mul3A_57, %scan3A_119 : i32
        %swap3A_285 = arith.index_cast %add3A_284 : i32 to index
        %swap3A_286 = arith.constant 64 : index
        %swap3A_287 = tpu.vector_load %arg5[%swap3A_285, %swap3A_286] {strides = array<i32>} : memref<128x256xf32, #tpu.memory_space<vmem>>, vector<1x16xf32>,
        %swap3A_288 = vector.shape_cast %swap3A_287 : vector<1x16xf32> to vector<16xf32>
        %swap3A_289 = vector.shape_cast %add3A_283 : vector<16xf32> to vector<1x16xf32>
        tpu.vector_store %arg5[%swap3A_285, %swap3A_286], %swap3A_289 {strides = array<i32>} : memref<128x256xf32, #tpu.memory_space<vmem>>, vector<1x16xf32>,
        %add3A_290 = arith.addi %mul3A_57, %scan3A_119 : i32
        %get3A_291 = arith.index_cast %add3A_290 : i32 to index
        %get3A_292 = arith.constant 80 : index
        %get3A_293 = tpu.vector_load %arg4[%get3A_291, %get3A_292] {strides = array<i32>} : memref<128x256xf32, #tpu.memory_space<vmem>>, vector<1x16xf32>,
        %get3A_294 = vector.shape_cast %get3A_293 : vector<1x16xf32> to vector<16xf32>
        %abs3A_295 = math.absf %get3A_294 : vector<16xf32>
        %neg3A_296 = arith.constant 0.000000e+00 : f32
        %neg3A_297 = vector.broadcast %neg3A_296 : f32 to vector<16xf32>
        %neg3A_298 = arith.subf %neg3A_297, %abs3A_295 : vector<16xf32>
        %exp3A_299 = math.exp %neg3A_298 : vector<16xf32>
        %mul3A_300 = arith.constant -7.389880e-02 : f32
        %mul3A_301 = vector.broadcast %mul3A_300 : f32 to vector<16xf32>
        %mul3A_302 = arith.mulf %mul3A_301, %exp3A_299 : vector<16xf32>
        %add3A_303 = arith.constant 0.251874298 : f32
        %add3A_304 = vector.broadcast %add3A_303 : f32 to vector<16xf32>
        %add3A_305 = arith.addf %mul3A_302, %add3A_304 : vector<16xf32>
        %mul3A_306 = arith.mulf %add3A_305, %exp3A_299 : vector<16xf32>
        %add3A_307 = arith.constant -0.484635234 : f32
        %add3A_308 = vector.broadcast %add3A_307 : f32 to vector<16xf32>
        %add3A_309 = arith.addf %mul3A_306, %add3A_308 : vector<16xf32>
        %mul3A_310 = arith.mulf %add3A_309, %exp3A_299 : vector<16xf32>
        %add3A_311 = arith.constant 0.999301254 : f32
        %add3A_312 = vector.broadcast %add3A_311 : f32 to vector<16xf32>
        %add3A_313 = arith.addf %mul3A_310, %add3A_312 : vector<16xf32>
        %max3A_314 = arith.constant 0.000000e+00 : f32
        %max3A_315 = vector.broadcast %max3A_314 : f32 to vector<16xf32>
        %max3A_316 = arith.maximumf %get3A_294, %max3A_315 : vector<16xf32>
        %mul3A_317 = arith.mulf %add3A_313, %exp3A_299 : vector<16xf32>
        %add3A_318 = arith.addf %max3A_316, %mul3A_317 : vector<16xf32>
        %add3A_319 = arith.addi %mul3A_57, %scan3A_119 : i32
        %swap3A_320 = arith.index_cast %add3A_319 : i32 to index
        %swap3A_321 = arith.constant 80 : index
        %swap3A_322 = tpu.vector_load %arg5[%swap3A_320, %swap3A_321] {strides = array<i32>} : memref<128x256xf32, #tpu.memory_space<vmem>>, vector<1x16xf32>,
        %swap3A_323 = vector.shape_cast %swap3A_322 : vector<1x16xf32> to vector<16xf32>
        %swap3A_324 = vector.shape_cast %add3A_318 : vector<16xf32> to vector<1x16xf32>
        tpu.vector_store %arg5[%swap3A_320, %swap3A_321], %swap3A_324 {strides = array<i32>} : memref<128x256xf32, #tpu.memory_space<vmem>>, vector<1x16xf32>,
        %add3A_325 = arith.addi %mul3A_57, %scan3A_119 : i32
        %get3A_326 = arith.index_cast %add3A_325 : i32 to index
        %get3A_327 = arith.constant 96 : index
        %get3A_328 = tpu.vector_load %arg4[%get3A_326, %get3A_327] {strides = array<i32>} : memref<128x256xf32, #tpu.memory_space<vmem>>, vector<1x16xf32>,
        %get3A_329 = vector.shape_cast %get3A_328 : vector<1x16xf32> to vector<16xf32>
        %abs3A_330 = math.absf %get3A_329 : vector<16xf32>
        %neg3A_331 = arith.constant 0.000000e+00 : f32
        %neg3A_332 = vector.broadcast %neg3A_331 : f32 to vector<16xf32>
        %neg3A_333 = arith.subf %neg3A_332, %abs3A_330 : vector<16xf32>
        %exp3A_334 = math.exp %neg3A_333 : vector<16xf32>
        %mul3A_335 = arith.constant -7.389880e-02 : f32
        %mul3A_336 = vector.broadcast %mul3A_335 : f32 to vector<16xf32>
        %mul3A_337 = arith.mulf %mul3A_336, %exp3A_334 : vector<16xf32>
        %add3A_338 = arith.constant 0.251874298 : f32
        %add3A_339 = vector.broadcast %add3A_338 : f32 to vector<16xf32>
        %add3A_340 = arith.addf %mul3A_337, %add3A_339 : vector<16xf32>
        %mul3A_341 = arith.mulf %add3A_340, %exp3A_334 : vector<16xf32>
        %add3A_342 = arith.constant -0.484635234 : f32
        %add3A_343 = vector.broadcast %add3A_342 : f32 to vector<16xf32>
        %add3A_344 = arith.addf %mul3A_341, %add3A_343 : vector<16xf32>
        %mul3A_345 = arith.mulf %add3A_344, %exp3A_334 : vector<16xf32>
        %add3A_346 = arith.constant 0.999301254 : f32
        %add3A_347 = vector.broadcast %add3A_346 : f32 to vector<16xf32>
        %add3A_348 = arith.addf %mul3A_345, %add3A_347 : vector<16xf32>
        %max3A_349 = arith.constant 0.000000e+00 : f32
        %max3A_350 = vector.broadcast %max3A_349 : f32 to vector<16xf32>
        %max3A_351 = arith.maximumf %get3A_329, %max3A_350 : vector<16xf32>
        %mul3A_352 = arith.mulf %add3A_348, %exp3A_334 : vector<16xf32>
        %add3A_353 = arith.addf %max3A_351, %mul3A_352 : vector<16xf32>
        %add3A_354 = arith.addi %mul3A_57, %scan3A_119 : i32
        %swap3A_355 = arith.index_cast %add3A_354 : i32 to index
        %swap3A_356 = arith.constant 96 : index
        %swap3A_357 = tpu.vector_load %arg5[%swap3A_355, %swap3A_356] {strides = array<i32>} : memref<128x256xf32, #tpu.memory_space<vmem>>, vector<1x16xf32>,
        %swap3A_358 = vector.shape_cast %swap3A_357 : vector<1x16xf32> to vector<16xf32>
        %swap3A_359 = vector.shape_cast %add3A_353 : vector<16xf32> to vector<1x16xf32>
        tpu.vector_store %arg5[%swap3A_355, %swap3A_356], %swap3A_359 {strides = array<i32>} : memref<128x256xf32, #tpu.memory_space<vmem>>, vector<1x16xf32>,
        %add3A_360 = arith.addi %mul3A_57, %scan3A_119 : i32
        %get3A_361 = arith.index_cast %add3A_360 : i32 to index
        %get3A_362 = arith.constant 112 : index
        %get3A_363 = tpu.vector_load %arg4[%get3A_361, %get3A_362] {strides = array<i32>} : memref<128x256xf32, #tpu.memory_space<vmem>>, vector<1x16xf32>,
        %get3A_364 = vector.shape_cast %get3A_363 : vector<1x16xf32> to vector<16xf32>
        %abs3A_365 = math.absf %get3A_364 : vector<16xf32>
        %neg3A_366 = arith.constant 0.000000e+00 : f32
        %neg3A_367 = vector.broadcast %neg3A_366 : f32 to vector<16xf32>
        %neg3A_368 = arith.subf %neg3A_367, %abs3A_365 : vector<16xf32>
        %exp3A_369 = math.exp %neg3A_368 : vector<16xf32>
        %mul3A_370 = arith.constant -7.389880e-02 : f32
        %mul3A_371 = vector.broadcast %mul3A_370 : f32 to vector<16xf32>
        %mul3A_372 = arith.mulf %mul3A_371, %exp3A_369 : vector<16xf32>
        %add3A_373 = arith.constant 0.251874298 : f32
        %add3A_374 = vector.broadcast %add3A_373 : f32 to vector<16xf32>
        %add3A_375 = arith.addf %mul3A_372, %add3A_374 : vector<16xf32>
        %mul3A_376 = arith.mulf %add3A_375, %exp3A_369 : vector<16xf32>
        %add3A_377 = arith.constant -0.484635234 : f32
        %add3A_378 = vector.broadcast %add3A_377 : f32 to vector<16xf32>
        %add3A_379 = arith.addf %mul3A_376, %add3A_378 : vector<16xf32>
        %mul3A_380 = arith.mulf %add3A_379, %exp3A_369 : vector<16xf32>
        %add3A_381 = arith.constant 0.999301254 : f32
        %add3A_382 = vector.broadcast %add3A_381 : f32 to vector<16xf32>
        %add3A_383 = arith.addf %mul3A_380, %add3A_382 : vector<16xf32>
        %max3A_384 = arith.constant 0.000000e+00 : f32
        %max3A_385 = vector.broadcast %max3A_384 : f32 to vector<16xf32>
        %max3A_386 = arith.maximumf %get3A_364, %max3A_385 : vector<16xf32>
        %mul3A_387 = arith.mulf %add3A_383, %exp3A_369 : vector<16xf32>
        %add3A_388 = arith.addf %max3A_386, %mul3A_387 : vector<16xf32>
        %add3A_389 = arith.addi %mul3A_57, %scan3A_119 : i32
        %swap3A_390 = arith.index_cast %add3A_389 : i32 to index
        %swap3A_391 = arith.constant 112 : index
        %swap3A_392 = tpu.vector_load %arg5[%swap3A_390, %swap3A_391] {strides = array<i32>} : memref<128x256xf32, #tpu.memory_space<vmem>>, vector<1x16xf32>,
        %swap3A_393 = vector.shape_cast %swap3A_392 : vector<1x16xf32> to vector<16xf32>
        %swap3A_394 = vector.shape_cast %add3A_388 : vector<16xf32> to vector<1x16xf32>
        tpu.vector_store %arg5[%swap3A_390, %swap3A_391], %swap3A_394 {strides = array<i32>} : memref<128x256xf32, #tpu.memory_space<vmem>>, vector<1x16xf32>,
        %add3A_395 = arith.addi %mul3A_57, %scan3A_119 : i32
        %get3A_396 = arith.index_cast %add3A_395 : i32 to index
        %get3A_397 = arith.constant 128 : index
        %get3A_398 = tpu.vector_load %arg4[%get3A_396, %get3A_397] {strides = array<i32>} : memref<128x256xf32, #tpu.memory_space<vmem>>, vector<1x16xf32>,
        %get3A_399 = vector.shape_cast %get3A_398 : vector<1x16xf32> to vector<16xf32>
        %broadcast_in_dim3A = arith.constant 0x7FC00000 : f32
        %broadcast_in_dim3A_400 = vector.broadcast %broadcast_in_dim3A : f32 to vector<16xf32>
        %broadcast_in_dim3A_401 = arith.constant -1.000000e+01 : f32
        %broadcast_in_dim3A_402 = vector.broadcast %broadcast_in_dim3A_401 : f32 to vector<16xf32>
        %eq3A_403 = arith.constant 0.000000e+00 : f32
        %eq3A_404 = vector.broadcast %eq3A_403 : f32 to vector<16xf32>
        %eq3A_405 = arith.cmpf oeq, %get3A_399, %eq3A_404 : vector<16xf32>
        %select_n3A = arith.select %eq3A_405, %broadcast_in_dim3A_400, %broadcast_in_dim3A_402 : vector<16xi1>, vector<16xf32>
        %add3A_406 = arith.addi %mul3A_57, %scan3A_119 : i32
        %swap3A_407 = arith.index_cast %add3A_406 : i32 to index
        %swap3A_408 = arith.constant 128 : index
        %swap3A_409 = tpu.vector_load %arg5[%swap3A_407, %swap3A_408] {strides = array<i32>} : memref<128x256xf32, #tpu.memory_space<vmem>>, vector<1x16xf32>,
        %swap3A_410 = vector.shape_cast %swap3A_409 : vector<1x16xf32> to vector<16xf32>
        %swap3A_411 = vector.shape_cast %select_n3A : vector<16xf32> to vector<1x16xf32>
        tpu.vector_store %arg5[%swap3A_407, %swap3A_408], %swap3A_411 {strides = array<i32>} : memref<128x256xf32, #tpu.memory_space<vmem>>, vector<1x16xf32>,
        %add3A_412 = arith.addi %mul3A_57, %scan3A_119 : i32
        %get3A_413 = arith.index_cast %add3A_412 : i32 to index
        %get3A_414 = arith.constant 144 : index
        %get3A_415 = tpu.vector_load %arg4[%get3A_413, %get3A_414] {strides = array<i32>} : memref<128x256xf32, #tpu.memory_space<vmem>>, vector<1x16xf32>,
        %get3A_416 = vector.shape_cast %get3A_415 : vector<1x16xf32> to vector<16xf32>
        %broadcast_in_dim3A_417 = arith.constant 0x7FC00000 : f32
        %broadcast_in_dim3A_418 = vector.broadcast %broadcast_in_dim3A_417 : f32 to vector<16xf32>
        %broadcast_in_dim3A_419 = arith.constant -1.000000e+01 : f32
        %broadcast_in_dim3A_420 = vector.broadcast %broadcast_in_dim3A_419 : f32 to vector<16xf32>
        %eq3A_421 = arith.constant 0.000000e+00 : f32
        %eq3A_422 = vector.broadcast %eq3A_421 : f32 to vector<16xf32>
        %eq3A_423 = arith.cmpf oeq, %get3A_416, %eq3A_422 : vector<16xf32>
        %select_n3A_424 = arith.select %eq3A_423, %broadcast_in_dim3A_418, %broadcast_in_dim3A_420 : vector<16xi1>, vector<16xf32>
        %add3A_425 = arith.addi %mul3A_57, %scan3A_119 : i32
        %swap3A_426 = arith.index_cast %add3A_425 : i32 to index
        %swap3A_427 = arith.constant 144 : index
        %swap3A_428 = tpu.vector_load %arg5[%swap3A_426, %swap3A_427] {strides = array<i32>} : memref<128x256xf32, #tpu.memory_space<vmem>>, vector<1x16xf32>,
        %swap3A_429 = vector.shape_cast %swap3A_428 : vector<1x16xf32> to vector<16xf32>
        %swap3A_430 = vector.shape_cast %select_n3A_424 : vector<16xf32> to vector<1x16xf32>
        tpu.vector_store %arg5[%swap3A_426, %swap3A_427], %swap3A_430 {strides = array<i32>} : memref<128x256xf32, #tpu.memory_space<vmem>>, vector<1x16xf32>,
        %add3A_431 = arith.addi %mul3A_57, %scan3A_119 : i32
        %get3A_432 = arith.index_cast %add3A_431 : i32 to index
        %get3A_433 = arith.constant 160 : index
        %get3A_434 = tpu.vector_load %arg4[%get3A_432, %get3A_433] {strides = array<i32>} : memref<128x256xf32, #tpu.memory_space<vmem>>, vector<1x16xf32>,
        %get3A_435 = vector.shape_cast %get3A_434 : vector<1x16xf32> to vector<16xf32>
        %broadcast_in_dim3A_436 = arith.constant 0x7FC00000 : f32
        %broadcast_in_dim3A_437 = vector.broadcast %broadcast_in_dim3A_436 : f32 to vector<16xf32>
        %broadcast_in_dim3A_438 = arith.constant -1.000000e+01 : f32
        %broadcast_in_dim3A_439 = vector.broadcast %broadcast_in_dim3A_438 : f32 to vector<16xf32>
        %eq3A_440 = arith.constant 0.000000e+00 : f32
        %eq3A_441 = vector.broadcast %eq3A_440 : f32 to vector<16xf32>
        %eq3A_442 = arith.cmpf oeq, %get3A_435, %eq3A_441 : vector<16xf32>
        %select_n3A_443 = arith.select %eq3A_442, %broadcast_in_dim3A_437, %broadcast_in_dim3A_439 : vector<16xi1>, vector<16xf32>
        %add3A_444 = arith.addi %mul3A_57, %scan3A_119 : i32
        %swap3A_445 = arith.index_cast %add3A_444 : i32 to index
        %swap3A_446 = arith.constant 160 : index
        %swap3A_447 = tpu.vector_load %arg5[%swap3A_445, %swap3A_446] {strides = array<i32>} : memref<128x256xf32, #tpu.memory_space<vmem>>, vector<1x16xf32>,
        %swap3A_448 = vector.shape_cast %swap3A_447 : vector<1x16xf32> to vector<16xf32>
        %swap3A_449 = vector.shape_cast %select_n3A_443 : vector<16xf32> to vector<1x16xf32>
        tpu.vector_store %arg5[%swap3A_445, %swap3A_446], %swap3A_449 {strides = array<i32>} : memref<128x256xf32, #tpu.memory_space<vmem>>, vector<1x16xf32>,
        %add3A_450 = arith.addi %mul3A_57, %scan3A_119 : i32
        %get3A_451 = arith.index_cast %add3A_450 : i32 to index
        %get3A_452 = arith.constant 176 : index
        %get3A_453 = tpu.vector_load %arg4[%get3A_451, %get3A_452] {strides = array<i32>} : memref<128x256xf32, #tpu.memory_space<vmem>>, vector<1x16xf32>,
        %get3A_454 = vector.shape_cast %get3A_453 : vector<1x16xf32> to vector<16xf32>
        %broadcast_in_dim3A_455 = arith.constant 0x7FC00000 : f32
        %broadcast_in_dim3A_456 = vector.broadcast %broadcast_in_dim3A_455 : f32 to vector<16xf32>
        %broadcast_in_dim3A_457 = arith.constant -1.000000e+01 : f32
        %broadcast_in_dim3A_458 = vector.broadcast %broadcast_in_dim3A_457 : f32 to vector<16xf32>
        %eq3A_459 = arith.constant 0.000000e+00 : f32
        %eq3A_460 = vector.broadcast %eq3A_459 : f32 to vector<16xf32>
        %eq3A_461 = arith.cmpf oeq, %get3A_454, %eq3A_460 : vector<16xf32>
        %select_n3A_462 = arith.select %eq3A_461, %broadcast_in_dim3A_456, %broadcast_in_dim3A_458 : vector<16xi1>, vector<16xf32>
        %add3A_463 = arith.addi %mul3A_57, %scan3A_119 : i32
        %swap3A_464 = arith.index_cast %add3A_463 : i32 to index
        %swap3A_465 = arith.constant 176 : index
        %swap3A_466 = tpu.vector_load %arg5[%swap3A_464, %swap3A_465] {strides = array<i32>} : memref<128x256xf32, #tpu.memory_space<vmem>>, vector<1x16xf32>,
        %swap3A_467 = vector.shape_cast %swap3A_466 : vector<1x16xf32> to vector<16xf32>
        %swap3A_468 = vector.shape_cast %select_n3A_462 : vector<16xf32> to vector<1x16xf32>
        tpu.vector_store %arg5[%swap3A_464, %swap3A_465], %swap3A_468 {strides = array<i32>} : memref<128x256xf32, #tpu.memory_space<vmem>>, vector<1x16xf32>,
        %add3A_469 = arith.addi %mul3A_57, %scan3A_119 : i32
        %get3A_470 = arith.index_cast %add3A_469 : i32 to index
        %get3A_471 = arith.constant 192 : index
        %get3A_472 = tpu.vector_load %arg4[%get3A_470, %get3A_471] {strides = array<i32>} : memref<128x256xf32, #tpu.memory_space<vmem>>, vector<1x16xf32>,
        %get3A_473 = vector.shape_cast %get3A_472 : vector<1x16xf32> to vector<16xf32>
        %broadcast_in_dim3A_474 = arith.constant 0x7FC00000 : f32
        %broadcast_in_dim3A_475 = vector.broadcast %broadcast_in_dim3A_474 : f32 to vector<16xf32>
        %broadcast_in_dim3A_476 = arith.constant -1.000000e+01 : f32
        %broadcast_in_dim3A_477 = vector.broadcast %broadcast_in_dim3A_476 : f32 to vector<16xf32>
        %eq3A_478 = arith.constant 0.000000e+00 : f32
        %eq3A_479 = vector.broadcast %eq3A_478 : f32 to vector<16xf32>
        %eq3A_480 = arith.cmpf oeq, %get3A_473, %eq3A_479 : vector<16xf32>
        %select_n3A_481 = arith.select %eq3A_480, %broadcast_in_dim3A_475, %broadcast_in_dim3A_477 : vector<16xi1>, vector<16xf32>
        %add3A_482 = arith.addi %mul3A_57, %scan3A_119 : i32
        %swap3A_483 = arith.index_cast %add3A_482 : i32 to index
        %swap3A_484 = arith.constant 192 : index
        %swap3A_485 = tpu.vector_load %arg5[%swap3A_483, %swap3A_484] {strides = array<i32>} : memref<128x256xf32, #tpu.memory_space<vmem>>, vector<1x16xf32>,
        %swap3A_486 = vector.shape_cast %swap3A_485 : vector<1x16xf32> to vector<16xf32>
        %swap3A_487 = vector.shape_cast %select_n3A_481 : vector<16xf32> to vector<1x16xf32>
        tpu.vector_store %arg5[%swap3A_483, %swap3A_484], %swap3A_487 {strides = array<i32>} : memref<128x256xf32, #tpu.memory_space<vmem>>, vector<1x16xf32>,
        %add3A_488 = arith.addi %mul3A_57, %scan3A_119 : i32
        %get3A_489 = arith.index_cast %add3A_488 : i32 to index
        %get3A_490 = arith.constant 208 : index
        %get3A_491 = tpu.vector_load %arg4[%get3A_489, %get3A_490] {strides = array<i32>} : memref<128x256xf32, #tpu.memory_space<vmem>>, vector<1x16xf32>,
        %get3A_492 = vector.shape_cast %get3A_491 : vector<1x16xf32> to vector<16xf32>
        %broadcast_in_dim3A_493 = arith.constant 0x7FC00000 : f32
        %broadcast_in_dim3A_494 = vector.broadcast %broadcast_in_dim3A_493 : f32 to vector<16xf32>
        %broadcast_in_dim3A_495 = arith.constant -1.000000e+01 : f32
        %broadcast_in_dim3A_496 = vector.broadcast %broadcast_in_dim3A_495 : f32 to vector<16xf32>
        %eq3A_497 = arith.constant 0.000000e+00 : f32
        %eq3A_498 = vector.broadcast %eq3A_497 : f32 to vector<16xf32>
        %eq3A_499 = arith.cmpf oeq, %get3A_492, %eq3A_498 : vector<16xf32>
        %select_n3A_500 = arith.select %eq3A_499, %broadcast_in_dim3A_494, %broadcast_in_dim3A_496 : vector<16xi1>, vector<16xf32>
        %add3A_501 = arith.addi %mul3A_57, %scan3A_119 : i32
        %swap3A_502 = arith.index_cast %add3A_501 : i32 to index
        %swap3A_503 = arith.constant 208 : index
        %swap3A_504 = tpu.vector_load %arg5[%swap3A_502, %swap3A_503] {strides = array<i32>} : memref<128x256xf32, #tpu.memory_space<vmem>>, vector<1x16xf32>,
        %swap3A_505 = vector.shape_cast %swap3A_504 : vector<1x16xf32> to vector<16xf32>
        %swap3A_506 = vector.shape_cast %select_n3A_500 : vector<16xf32> to vector<1x16xf32>
        tpu.vector_store %arg5[%swap3A_502, %swap3A_503], %swap3A_506 {strides = array<i32>} : memref<128x256xf32, #tpu.memory_space<vmem>>, vector<1x16xf32>,
        %add3A_507 = arith.addi %mul3A_57, %scan3A_119 : i32
        %get3A_508 = arith.index_cast %add3A_507 : i32 to index
        %get3A_509 = arith.constant 224 : index
        %get3A_510 = tpu.vector_load %arg4[%get3A_508, %get3A_509] {strides = array<i32>} : memref<128x256xf32, #tpu.memory_space<vmem>>, vector<1x16xf32>,
        %get3A_511 = vector.shape_cast %get3A_510 : vector<1x16xf32> to vector<16xf32>
        %broadcast_in_dim3A_512 = arith.constant 0x7FC00000 : f32
        %broadcast_in_dim3A_513 = vector.broadcast %broadcast_in_dim3A_512 : f32 to vector<16xf32>
        %broadcast_in_dim3A_514 = arith.constant -1.000000e+01 : f32
        %broadcast_in_dim3A_515 = vector.broadcast %broadcast_in_dim3A_514 : f32 to vector<16xf32>
        %eq3A_516 = arith.constant 0.000000e+00 : f32
        %eq3A_517 = vector.broadcast %eq3A_516 : f32 to vector<16xf32>
        %eq3A_518 = arith.cmpf oeq, %get3A_511, %eq3A_517 : vector<16xf32>
        %select_n3A_519 = arith.select %eq3A_518, %broadcast_in_dim3A_513, %broadcast_in_dim3A_515 : vector<16xi1>, vector<16xf32>
        %add3A_520 = arith.addi %mul3A_57, %scan3A_119 : i32
        %swap3A_521 = arith.index_cast %add3A_520 : i32 to index
        %swap3A_522 = arith.constant 224 : index
        %swap3A_523 = tpu.vector_load %arg5[%swap3A_521, %swap3A_522] {strides = array<i32>} : memref<128x256xf32, #tpu.memory_space<vmem>>, vector<1x16xf32>,
        %swap3A_524 = vector.shape_cast %swap3A_523 : vector<1x16xf32> to vector<16xf32>
        %swap3A_525 = vector.shape_cast %select_n3A_519 : vector<16xf32> to vector<1x16xf32>
        tpu.vector_store %arg5[%swap3A_521, %swap3A_522], %swap3A_525 {strides = array<i32>} : memref<128x256xf32, #tpu.memory_space<vmem>>, vector<1x16xf32>,
        %add3A_526 = arith.addi %mul3A_57, %scan3A_119 : i32
        %get3A_527 = arith.index_cast %add3A_526 : i32 to index
        %get3A_528 = arith.constant 240 : index
        %get3A_529 = tpu.vector_load %arg4[%get3A_527, %get3A_528] {strides = array<i32>} : memref<128x256xf32, #tpu.memory_space<vmem>>, vector<1x16xf32>,
        %get3A_530 = vector.shape_cast %get3A_529 : vector<1x16xf32> to vector<16xf32>
        %broadcast_in_dim3A_531 = arith.constant 0x7FC00000 : f32
        %broadcast_in_dim3A_532 = vector.broadcast %broadcast_in_dim3A_531 : f32 to vector<16xf32>
        %broadcast_in_dim3A_533 = arith.constant -1.000000e+01 : f32
        %broadcast_in_dim3A_534 = vector.broadcast %broadcast_in_dim3A_533 : f32 to vector<16xf32>
        %eq3A_535 = arith.constant 0.000000e+00 : f32
        %eq3A_536 = vector.broadcast %eq3A_535 : f32 to vector<16xf32>
        %eq3A_537 = arith.cmpf oeq, %get3A_530, %eq3A_536 : vector<16xf32>
        %select_n3A_538 = arith.select %eq3A_537, %broadcast_in_dim3A_532, %broadcast_in_dim3A_534 : vector<16xi1>, vector<16xf32>
        %add3A_539 = arith.addi %mul3A_57, %scan3A_119 : i32
        %swap3A_540 = arith.index_cast %add3A_539 : i32 to index
        %swap3A_541 = arith.constant 240 : index
        %swap3A_542 = tpu.vector_load %arg5[%swap3A_540, %swap3A_541] {strides = array<i32>} : memref<128x256xf32, #tpu.memory_space<vmem>>, vector<1x16xf32>,
        %swap3A_543 = vector.shape_cast %swap3A_542 : vector<1x16xf32> to vector<16xf32>
        %swap3A_544 = vector.shape_cast %select_n3A_538 : vector<16xf32> to vector<1x16xf32>
        tpu.vector_store %arg5[%swap3A_540, %swap3A_541], %swap3A_544 {strides = array<i32>} : memref<128x256xf32, #tpu.memory_space<vmem>>, vector<1x16xf32>,
        %scan3A_545 = arith.constant 0 : i32
        scf.yield %scan3A_545 : i32
      }
      %scan3A_88 = arith.constant 64 : i32
      %eq3A_89 = arith.constant 0 : i32
      %eq3A_90 = arith.cmpi eq, %rem3A_55, %eq3A_89 : i32
      %convert_element_type3A_91 = arith.extui %eq3A_90 : i1 to i32
      %cond3A_92 = arith.constant 0 : i32
      %cond3A_93 = arith.cmpi ne, %convert_element_type3A_91, %cond3A_92 : i32
      scf.if %cond3A_93 {
        %dma_start3A_119 = arith.constant 0 : i32
        %dma_start3A_120 = arith.constant 0 : i32
        %dma_start3A_121 = tpu.memref_slice %arg5[%dma_start3A_119, %dma_start3A_120] : memref<128x256xf32, #tpu.memory_space<vmem>> -> memref<64x256xf32, #tpu.memory_space<vmem>>
        %dma_start3A_122 = arith.constant 0 : i32
        %dma_start3A_123 = tpu.memref_slice %arg3[%add3A_60, %dma_start3A_122] : memref<16384x256xf32, #tpu.memory_space<hbm>> -> memref<64x256xf32, #tpu.memory_space<hbm>>
        %dma_start3A_124 = arith.constant 0 : i32
        %dma_start3A_125 = tpu.memref_slice %arg3[%add3A_60, %dma_start3A_124] : memref<16384x256xf32, #tpu.memory_space<hbm>> -> memref<64x256xf32, #tpu.memory_space<hbm>>
        %dma_start3A_126 = arith.constant 0 : i32
        %dma_start3A_127 = arith.constant 0 : i32
        %dma_start3A_128 = tpu.memref_slice %arg5[%dma_start3A_126, %dma_start3A_127] : memref<128x256xf32, #tpu.memory_space<vmem>> -> memref<64x256xf32, #tpu.memory_space<vmem>>
        tpu.enqueue_dma source(%dma_start3A_128 : memref<64x256xf32, #tpu.memory_space<vmem>>) target(%dma_start3A_125 : memref<64x256xf32, #tpu.memory_space<hbm>>) target_semaphore(%arg8 : memref<!tpu.dma_semaphore, #tpu.memory_space<semaphore_mem>>)
      } else {
      }
      %eq3A_94 = arith.constant 1 : i32
      %eq3A_95 = arith.cmpi eq, %rem3A_55, %eq3A_94 : i32
      %convert_element_type3A_96 = arith.extui %eq3A_95 : i1 to i32
      %cond3A_97 = arith.constant 0 : i32
      %cond3A_98 = arith.cmpi ne, %convert_element_type3A_96, %cond3A_97 : i32
      scf.if %cond3A_98 {
        %dma_start3A_119 = arith.constant 64 : i32
        %dma_start3A_120 = arith.constant 0 : i32
        %dma_start3A_121 = tpu.memref_slice %arg5[%dma_start3A_119, %dma_start3A_120] : memref<128x256xf32, #tpu.memory_space<vmem>> -> memref<64x256xf32, #tpu.memory_space<vmem>>
        %dma_start3A_122 = arith.constant 0 : i32
        %dma_start3A_123 = tpu.memref_slice %arg3[%add3A_60, %dma_start3A_122] : memref<16384x256xf32, #tpu.memory_space<hbm>> -> memref<64x256xf32, #tpu.memory_space<hbm>>
        %dma_start3A_124 = arith.constant 0 : i32
        %dma_start3A_125 = tpu.memref_slice %arg3[%add3A_60, %dma_start3A_124] : memref<16384x256xf32, #tpu.memory_space<hbm>> -> memref<64x256xf32, #tpu.memory_space<hbm>>
        %dma_start3A_126 = arith.constant 64 : i32
        %dma_start3A_127 = arith.constant 0 : i32
        %dma_start3A_128 = tpu.memref_slice %arg5[%dma_start3A_126, %dma_start3A_127] : memref<128x256xf32, #tpu.memory_space<vmem>> -> memref<64x256xf32, #tpu.memory_space<vmem>>
        tpu.enqueue_dma source(%dma_start3A_128 : memref<64x256xf32, #tpu.memory_space<vmem>>) target(%dma_start3A_125 : memref<64x256xf32, #tpu.memory_space<hbm>>) target_semaphore(%arg9 : memref<!tpu.dma_semaphore, #tpu.memory_space<semaphore_mem>>)
      } else {
      }
      %add3A_99 = arith.constant 2 : i32
      %add3A_100 = arith.addi %scan3A_53, %add3A_99 : i32
      %lt3A = arith.constant 8 : i32
      %lt3A_101 = arith.cmpi slt, %add3A_100, %lt3A : i32
      %eq3A_102 = arith.constant 0 : i32
      %eq3A_103 = arith.cmpi eq, %rem3A_55, %eq3A_102 : i32
      %and3A_104 = arith.andi %lt3A_101, %eq3A_103 : i1
      %convert_element_type3A_105 = arith.extui %and3A_104 : i1 to i32
      %cond3A_106 = arith.constant 0 : i32
      %cond3A_107 = arith.cmpi ne, %convert_element_type3A_105, %cond3A_106 : i32
      scf.if %cond3A_107 {
        %add3A_119 = arith.constant 128 : i32
        %add3A_120 = arith.addi %add3A_60, %add3A_119 : i32
        %dma_start3A_121 = arith.constant 0 : i32
        %dma_start3A_122 = arith.constant 0 : i32
        %dma_start3A_123 = tpu.memref_slice %arg4[%dma_start3A_121, %dma_start3A_122] : memref<128x256xf32, #tpu.memory_space<vmem>> -> memref<64x256xf32, #tpu.memory_space<vmem>>
        %dma_start3A_124 = arith.constant 0 : i32
        %dma_start3A_125 = tpu.memref_slice %arg2[%add3A_120, %dma_start3A_124] : memref<16384x256xf32, #tpu.memory_space<hbm>> -> memref<64x256xf32, #tpu.memory_space<hbm>>
        %dma_start3A_126 = arith.constant 0 : i32
        %dma_start3A_127 = arith.constant 0 : i32
        %dma_start3A_128 = tpu.memref_slice %arg4[%dma_start3A_126, %dma_start3A_127] : memref<128x256xf32, #tpu.memory_space<vmem>> -> memref<64x256xf32, #tpu.memory_space<vmem>>
        %dma_start3A_129 = arith.constant 0 : i32
        %dma_start3A_130 = tpu.memref_slice %arg2[%add3A_120, %dma_start3A_129] : memref<16384x256xf32, #tpu.memory_space<hbm>> -> memref<64x256xf32, #tpu.memory_space<hbm>>
        tpu.enqueue_dma source(%dma_start3A_130 : memref<64x256xf32, #tpu.memory_space<hbm>>) target(%dma_start3A_128 : memref<64x256xf32, #tpu.memory_space<vmem>>) target_semaphore(%arg6 : memref<!tpu.dma_semaphore, #tpu.memory_space<semaphore_mem>>)
      } else {
      }
      %add3A_108 = arith.constant 2 : i32
      %add3A_109 = arith.addi %scan3A_53, %add3A_108 : i32
      %lt3A_110 = arith.constant 8 : i32
      %lt3A_111 = arith.cmpi slt, %add3A_109, %lt3A_110 : i32
      %eq3A_112 = arith.constant 1 : i32
      %eq3A_113 = arith.cmpi eq, %rem3A_55, %eq3A_112 : i32
      %and3A_114 = arith.andi %lt3A_111, %eq3A_113 : i1
      %convert_element_type3A_115 = arith.extui %and3A_114 : i1 to i32
      %cond3A_116 = arith.constant 0 : i32
      %cond3A_117 = arith.cmpi ne, %convert_element_type3A_115, %cond3A_116 : i32
      scf.if %cond3A_117 {
        %add3A_119 = arith.constant 128 : i32
        %add3A_120 = arith.addi %add3A_60, %add3A_119 : i32
        %dma_start3A_121 = arith.constant 64 : i32
        %dma_start3A_122 = arith.constant 0 : i32
        %dma_start3A_123 = tpu.memref_slice %arg4[%dma_start3A_121, %dma_start3A_122] : memref<128x256xf32, #tpu.memory_space<vmem>> -> memref<64x256xf32, #tpu.memory_space<vmem>>
        %dma_start3A_124 = arith.constant 0 : i32
        %dma_start3A_125 = tpu.memref_slice %arg2[%add3A_120, %dma_start3A_124] : memref<16384x256xf32, #tpu.memory_space<hbm>> -> memref<64x256xf32, #tpu.memory_space<hbm>>
        %dma_start3A_126 = arith.constant 64 : i32
        %dma_start3A_127 = arith.constant 0 : i32
        %dma_start3A_128 = tpu.memref_slice %arg4[%dma_start3A_126, %dma_start3A_127] : memref<128x256xf32, #tpu.memory_space<vmem>> -> memref<64x256xf32, #tpu.memory_space<vmem>>
        %dma_start3A_129 = arith.constant 0 : i32
        %dma_start3A_130 = tpu.memref_slice %arg2[%add3A_120, %dma_start3A_129] : memref<16384x256xf32, #tpu.memory_space<hbm>> -> memref<64x256xf32, #tpu.memory_space<hbm>>
        tpu.enqueue_dma source(%dma_start3A_130 : memref<64x256xf32, #tpu.memory_space<hbm>>) target(%dma_start3A_128 : memref<64x256xf32, #tpu.memory_space<vmem>>) target_semaphore(%arg7 : memref<!tpu.dma_semaphore, #tpu.memory_space<semaphore_mem>>)
      } else {
      }
      %scan3A_118 = arith.constant 0 : i32
      scf.yield %scan3A_118 : i32
    }
    %scan3A_29 = arith.constant 8 : i32
    %add3A_30 = arith.constant 384 : i32
    %add3A_31 = arith.addi %mul3A_2, %add3A_30 : i32
    %dma_wait3A = arith.constant 0 : i32
    %dma_wait3A_32 = arith.constant 0 : i32
    %dma_wait3A_33 = tpu.memref_slice %arg5[%dma_wait3A, %dma_wait3A_32] : memref<128x256xf32, #tpu.memory_space<vmem>> -> memref<64x256xf32, #tpu.memory_space<vmem>>
    %dma_wait3A_34 = arith.constant 0 : i32
    %dma_wait3A_35 = tpu.memref_slice %arg3[%add3A_31, %dma_wait3A_34] : memref<16384x256xf32, #tpu.memory_space<hbm>> -> memref<64x256xf32, #tpu.memory_space<hbm>>
    %dma_wait3A_36 = arith.constant 0 : i32
    %dma_wait3A_37 = tpu.memref_slice %arg3[%add3A_31, %dma_wait3A_36] : memref<16384x256xf32, #tpu.memory_space<hbm>> -> memref<64x256xf32, #tpu.memory_space<hbm>>
    %dma_wait3A_38 = arith.constant 0 : i32
    %dma_wait3A_39 = arith.constant 0 : i32
    %dma_wait3A_40 = tpu.memref_slice %arg5[%dma_wait3A_38, %dma_wait3A_39] : memref<128x256xf32, #tpu.memory_space<vmem>> -> memref<64x256xf32, #tpu.memory_space<vmem>>
    tpu.wait_dma2 semaphore(%arg8 : memref<!tpu.dma_semaphore, #tpu.memory_space<semaphore_mem>>) src(%dma_wait3A_40 : memref<64x256xf32, #tpu.memory_space<vmem>>) dst(%dma_wait3A_37 : memref<64x256xf32, #tpu.memory_space<hbm>>)
    %add3A_41 = arith.constant 448 : i32
    %add3A_42 = arith.addi %mul3A_2, %add3A_41 : i32
    %dma_wait3A_43 = arith.constant 64 : i32
    %dma_wait3A_44 = arith.constant 0 : i32
    %dma_wait3A_45 = tpu.memref_slice %arg5[%dma_wait3A_43, %dma_wait3A_44] : memref<128x256xf32, #tpu.memory_space<vmem>> -> memref<64x256xf32, #tpu.memory_space<vmem>>
    %dma_wait3A_46 = arith.constant 0 : i32
    %dma_wait3A_47 = tpu.memref_slice %arg3[%add3A_42, %dma_wait3A_46] : memref<16384x256xf32, #tpu.memory_space<hbm>> -> memref<64x256xf32, #tpu.memory_space<hbm>>
    %dma_wait3A_48 = arith.constant 0 : i32
    %dma_wait3A_49 = tpu.memref_slice %arg3[%add3A_42, %dma_wait3A_48] : memref<16384x256xf32, #tpu.memory_space<hbm>> -> memref<64x256xf32, #tpu.memory_space<hbm>>
    %dma_wait3A_50 = arith.constant 64 : i32
    %dma_wait3A_51 = arith.constant 0 : i32
    %dma_wait3A_52 = tpu.memref_slice %arg5[%dma_wait3A_50, %dma_wait3A_51] : memref<128x256xf32, #tpu.memory_space<vmem>> -> memref<64x256xf32, #tpu.memory_space<vmem>>
    tpu.wait_dma2 semaphore(%arg9 : memref<!tpu.dma_semaphore, #tpu.memory_space<semaphore_mem>>) src(%dma_wait3A_52 : memref<64x256xf32, #tpu.memory_space<vmem>>) dst(%dma_wait3A_49 : memref<64x256xf32, #tpu.memory_space<hbm>>)
    return
  }
}

</mosaic_0001>

<sc_bundles>
// kernel: kernel.3.cloned.1.call-start
scs
__scs_entry_jumppad:
0x0: {  	(pc) =	sbr.rel $0x88, $3  }
0x1: {  	(tag) =	ssettag $0x0;
	lr =	simm.s32 $0x1  }
0x2: {  	[smem:$0x3FA0] =	sst lr;
	_ =	strace $0xD0000000  }
0x3: {  	_ = 	snop  }
0x4: {  	_ = 	snop  }
0x5: {  	_ = 	snop  }
0x6: {  	_ = 	snop  }
0x7: {  	_ = 	snop  }
__scs_overlays_trampoline_lowered:
0x8: {  	[smem:$0x3FAF] =	sst s0  }
0x9: {  	[smem:$0x3FB0] =	sst s1  }
0xa: {  	[smem:$0x3FB1] =	sst s2  }
0xb: {  	[smem:$0x3FB2] =	sst s3  }
0xc: {  	[smem:$0x3FB3] =	sst s4  }
0xd: {  	[smem:$0x3FB4] =	sst s5  }
0xe: {  	[smem:$0x3FB5] =	sst s6  }
0xf: {  	[smem:$0x3FB6] =	sst s7  }
0x10: {  	[smem:$0x3FB7] =	sst s8  }
0x11: {  	[smem:$0x3FB8] =	sst s9;
	s0 =	simm.s32 @!p0 $0x0  }
0x12: {  	s1 =	sld [smem:$0x3F9E];
	s0 =	simm.s32 @p0 $0x1  }
0x13: {  	[smem:$0x3FB9] =	sst s0;
	s0 =	simm.s32 @!p1 $0x0  }
0x14: {  	s2 =	sld [smem:$0x3F9D];
	s0 =	simm.s32 @p1 $0x1  }
0x15: {  	[smem:$0x3FBA] =	sst s0;
	s0 =	simm.s32 @!p2 $0x0  }
0x16: {  	s3 =	sld [smem:$0x3FDB];
	s0 =	simm.s32 @p2 $0x1  }
0x17: {  	s4 =	simm.s32 $0x1BF5;
	[smem:$0x3FBC] =	sst s0  }
0x18: {  	s0 =	sld [smem:$0x3F9F];
	_ =	swait.ge [sflag:s4], $0x0  }
0x19: {  	s7 =	sld [smem:$0x3FA0]  }
0x1a: {  	s8 =	sadd.s32 $0xFFFFE003, lr  }
0x1b: {  	s9 =	sadd.s32 $0xFFFFFEF7, lr;
	s5 =	simm.s32 $0xFFFFFFFF;
	p2 =	slt.u32 s8, $0xFFFFF086  }
0x1c: {  	p1 =	slt.u32 s9, $0xF7A;
	s5 =	simm.s32 @!p2 $0x0  }
0x1d: {  	s5 =	simm.s32 @p1 $0x1;
	p0 =	seq.s32 s7, s2  }
0x1e: {  	s7 =	smul.u32 @!p0 $0xF7A, s2;
	p2 =	seq.s32 @!p0 s5, $0x0  }
0x1f: {  	s9 =	smul.u32 $0xF7A, s1;
	s8 =	simm.s32 @!p0 $0x1BF5;
	p2 =	por !p2, p0  }
0x20: {  	[sflag:s8] =	ssyncset.s32 @!p0 $0xFFFFF086;
	s6 =	sadd.s32 @!p0 s3, s7;
	s7 =	simm.s32 @!p0 $0x108  }
0x21: {  	s3 =	sadd.s32 s3, s9;
	s6 =	sadd.s32 @!p0 $0x88, s6;
	s7 =	simm.s32 @p2 $0x1082  }
0x22: {  	[simem:s7], [sflag:s8] =	dma.local @!p0 [hbm:s6], $0xF7A  }
0x23: {  	s9 =	sor.u32 $0xD0000000, s2;
	s6 =	simm.s32 $0x108;
	_ =	swait.ge @!p0 [sflag:s8], $0x0  }
0x24: {  	s3 =	sadd.s32 $0x88, s3;
	s6 =	simm.s32 @!p1 $0x1082;
	[sflag:s4] =	ssyncset.s32 $0xFFFFF086  }
0x25: {  	[simem:s6], [sflag:s4] =	dma.local [hbm:s3], $0xF7A  }
0x26: {  	[smem:$0x3FA0] =	sst s1;
	(tag) =	ssettag s2;
	_ =	strace s9  }
0x27: {  	s1 =	sld [smem:$0x3FB0]  }
0x28: {  	s2 =	sld [smem:$0x3FB1]  }
0x29: {  	s4 =	sld [smem:$0x3FB3]  }
0x2a: {  	p0 =	seq.s32 s5, $0x0;
	s5 =	sld [smem:$0x3FB4]  }
0x2b: {  	s6 =	sld [smem:$0x3FB5]  }
0x2c: {  	s7 =	sld [smem:$0x3FB6]  }
0x2d: {  	s3 =	simm.s32 $0x108;
	s8 =	sld [smem:$0x3FB7]  }
0x2e: {  	s3 =	simm.s32 @!p0 $0x1082;
	s9 =	sld [smem:$0x3FB8]  }
0x2f: {  	lr =	sadd.s32 s0, s3;
	s0 =	sld [smem:$0x3FAF]  }
0x30: {  	s3 =	sld [smem:$0x3FB2]  }
0x31: {  	[smem:$0x3FBB] =	sst s10  }
0x32: {  	s10 =	sld [smem:$0x3FB9];
	_ =	sdelay $0x3  }
0x33: {  	p0 =	seq.s32 s10, $0x1;
	s10 =	sld [smem:$0x3FBB];
	_ =	sdelay $0x3  }
0x34: {  	[smem:$0x3FBB] =	sst s10  }
0x35: {  	s10 =	sld [smem:$0x3FBA];
	_ =	sdelay $0x3  }
0x36: {  	p1 =	seq.s32 s10, $0x1;
	s10 =	sld [smem:$0x3FBB];
	_ =	sdelay $0x3  }
0x37: {  	[smem:$0x3FBB] =	sst s10  }
0x38: {  	s10 =	sld [smem:$0x3FBC]  }
0x39: {  	_ = 	snop;
	(pc) =	sbr.ind lr, $3  }
0x3a: {  	_ = 	snop  }
0x3b: {  	_ = 	snop  }
0x3c: {  	p2 =	seq.s32 s10, $0x1;
	s10 =	sld [smem:$0x3FBB]  }
0x3d: {  	_ =	shalt  }
0x3e: {  	_ =	shalt  }
0x3f: {  	_ =	shalt  }
0x40: {  	_ =	shalt  }
0x41: {  	_ =	shalt  }
0x42: {  	_ =	shalt  }
0x43: {  	_ =	shalt  }
0x44: {  	_ =	shalt  }
0x45: {  	_ =	shalt  }
0x46: {  	_ =	shalt  }
0x47: {  	_ =	shalt  }
0x48: {  	_ =	shalt  }
0x49: {  	_ =	shalt  }
0x4a: {  	_ =	shalt  }
0x4b: {  	_ =	shalt  }
0x4c: {  	_ =	shalt  }
0x4d: {  	_ =	shalt  }
0x4e: {  	_ =	shalt  }
0x4f: {  	_ =	shalt  }
0x50: {  	_ =	shalt  }
0x51: {  	_ =	shalt  }
0x52: {  	_ =	shalt  }
0x53: {  	_ =	shalt  }
0x54: {  	_ =	shalt  }
0x55: {  	_ =	shalt  }
0x56: {  	_ =	shalt  }
0x57: {  	_ =	shalt  }
0x58: {  	_ =	shalt  }
0x59: {  	_ =	shalt  }
0x5a: {  	_ =	shalt  }
0x5b: {  	_ =	shalt  }
0x5c: {  	_ =	shalt  }
0x5d: {  	_ =	shalt  }
0x5e: {  	_ =	shalt  }
0x5f: {  	_ =	shalt  }
0x60: {  	_ =	shalt  }
0x61: {  	_ =	shalt  }
0x62: {  	_ =	shalt  }
0x63: {  	_ =	shalt  }
0x64: {  	_ =	shalt  }
0x65: {  	_ =	shalt  }
0x66: {  	_ =	shalt  }
0x67: {  	_ =	shalt  }
0x68: {  	_ =	shalt  }
0x69: {  	_ =	shalt  }
0x6a: {  	_ =	shalt  }
0x6b: {  	_ =	shalt  }
0x6c: {  	_ =	shalt  }
0x6d: {  	_ =	shalt  }
0x6e: {  	_ =	shalt  }
0x6f: {  	_ =	shalt  }
0x70: {  	_ =	shalt  }
0x71: {  	_ =	shalt  }
0x72: {  	_ =	shalt  }
0x73: {  	_ =	shalt  }
0x74: {  	_ =	shalt  }
0x75: {  	_ =	shalt  }
0x76: {  	_ =	shalt  }
0x77: {  	_ =	shalt  }
0x78: {  	_ =	shalt  }
0x79: {  	_ =	shalt  }
0x7a: {  	_ =	shalt  }
0x7b: {  	_ =	shalt  }
0x7c: {  	_ =	shalt  }
0x7d: {  	_ =	shalt  }
0x7e: {  	_ =	shalt  }
0x7f: {  	_ =	shalt  }
0x80: {  	_ =	shalt  }
0x81: {  	_ =	shalt  }
0x82: {  	_ =	shalt  }
0x83: {  	_ =	shalt  }
0x84: {  	_ =	shalt  }
0x85: {  	_ =	shalt  }
0x86: {  	_ =	shalt  }
0x87: {  	_ =	shalt  }
.Lfunc_end0:
.L_simem_size_0:
called_computation_lowered:
.L_overlay_start_0:
0x88: {  	s2 =	sld [smem:$0x3FD9]  }
0x89: {  	s3 =	sld [smem:$0x3FFE];
	_ =	sdelay $0x1  }
0x8a: {  	s1 =	srdreg.scid  }
0x8b: {  	s0 =	sand.u32 $0x1, s1  }
0x8c: {  	s18 =	sshll.u32 s0, $0xA;
	s2 =	sadd.s32 s3, s2  }
0x8d: {  	s2 =	sadd.s32 s2, s18  }
0x8e: {  	[smem:$0x3FC7] =	sst s2  }
0x8f: {  	_ = 	snop  }
0x90: {  	s2 =	sld [smem:$0x3FC9]  }
0x91: {  	s19 =	sld [smem:$0x3FD0];
	(tm) =	ssettm $0x1  }
0x92: {  	s4 =	sld [smem:$0x3FFB];
	_ =	sdelay $0x3  }
0x93: {  	_ =	strace s4  }
0x94: {  	s4 =	sld [smem:$0x3FFC];
	_ =	sdelay $0x3  }
0x95: {  	_ =	strace s4  }
0x96: {  	s4 =	sld [smem:$0x3FFD];
	_ =	sdelay $0x3  }
0x97: {  	_ =	strace s4  }
0x98: {  	_ =	strace $0x8FFFFFFF  }
0x99: {  	s20 =	sld [smem:$0x3FDB];
	_ =	sdelay $0x1  }
0x9a: {  	s5 =	simm.s32 $_scs_section_size  }
0x9b: {  	s6 =	simm.s32 $_size__tile_overlayer_lowered;
	s7 =	simm.s32 $_tile_overlayer_lowered  }
0x9c: {  	s23 =	simm.s32 $0x1BFF;
	s22 =	sshll.u32 s7, $0x1;
	s4 =	sadd.s32 s5, s20  }
0x9d: {  	s8 =	simm.s32 $0x0;
	s21 =	sshll.u32 s6, $0x1;
	s6 =	sadd.s32 s22, s4  }
0x9e: {  	[timem:s8], [sflag:s23] =	dma.local [hbm:s6], s21  }
0x9f: {  	_ =	swait.ge [sflag:s23], s21  }
0xa0: {  	s5 =	ssub.s32 $0x0, s21;
	[sflag:s23] =	ssyncset.done $0x0  }
0xa1: {  	[sflag:s23] =	ssyncadd.s32 s5;
	_ =	sdelay $0x1  }
0xa2: {  	s24 =	simm.s32 $0x1B8B  }
0xa3: {  	_ =	swait.ge [sflag:s24], $0x1  }
0xa4: {  	[sflag:s24] =	ssyncset.done $0x0  }
0xa5: {  	s25 =	simm.s32 $0x1B8E;
	[sflag:s24] =	ssyncadd.s32 $0xFFFFFFFF  }
0xa6: {  	s26 =	simm.s32 $execute0_lowered;
	[smem:$0x3FD2] =	sst s25  }
0xa7: {  	s5 =	sshll.u32 s26, $0x1;
	_ =	strace $0x80000046;
	[dreg:$0x1] =	wrdreg $0xFFFFFFFF  }
0xa8: {  	s28 =	simm.s32 $_size_execute0_lowered;
	s4 =	sadd.s32 s4, s5;
	[dreg:$0x0] =	wrdreg $0x0  }
0xa9: {  	s5 =	sshll.u32 s28, $0x1;
	[dreg:$0x2] =	wrdreg s4  }
0xaa: {  	[dreg:$0x3] =	wrdreg s5  }
0xab: {  	[dreg:$0x4] =	wrdreg $0xC0  }
0xac: {  	_ =	task [dreg:s8], $0x5FFFF  }
0xad: {  	[dreg:$0x1] =	wrdreg $0xFFFFFFFF  }
0xae: {  	[dreg:$0x0] =	wrdreg $0x60  }
0xaf: {  	[dreg:$0x2] =	wrdreg s2  }
0xb0: {  	[dreg:$0x3] =	wrdreg s19  }
0xb1: {  	[dreg:$0x4] =	wrdreg $0x9  }
0xb2: {  	_ =	task.clear_ibuf [dreg:s8], $0x5FFFF;
	_ =	strace $0x90000046  }
0xb3: {  	s29 =	simm.s32 $0x9;
	_ =	strace $0x80000048  }
0xb4: {  	_ =	swait.ge [sflag:s29], $0x1  }
0xb5: {  	[sflag:s29] =	ssyncadd.s32 $0xFFFFFFFF  }
0xb6: {  	_ =	strace $0x90000048  }
0xb7: {  	_ =	sfence  }
0xb8: {  	s30 =	sld [smem:$0x0];
	_ =	sdelay $0x2  }
0xb9: {  	s31 =	sshll.u32 s1, $0xD;
	s1 =	sshrl.u32 s1, $0x2  }
0xba: {  	s3 =	sand.u32 $0x4000, s31;
	s1 =	sadd.s32 s1, s30  }
0xbb: {  	s0 =	sor.u32 s3, s0;
	s1 =	sshll.u32 s1, $0x11  }
0xbc: {  	s0 =	sor.u32 s1, s0  }
0xbd: {  	s0 =	sadd.s32 $0x8F2B, s0  }
0xbe: {  	[sflag:s0] =	ssyncadd.remote.s32 $0x1  }
0xbf: {  	_ =	sfence.sel $0xFFFF  }
0xc0: {  	[dreg:$0x0] =	wrdreg $0xFFFFFFFF;
	(pc) =	sbr.abs _section_cstart, $3  }
0xc1: {  	[dreg:$0x1] =	wrdreg $0xFFFFFFFF  }
0xc2: {  	_ =	task.clear_ibuf [dreg:s8], $0x2FFFF;
	_ =	strace $0x9FFFFFFF  }
0xc3: {  	(tm) =	ssettm $0x7FFFFFFF  }
tec
execute0_lowered:
.L_overlay_start_1:
0x0: {  	(tag) =	ssettag $0x1  }
0x1: {  	s1 =	srdreg.scid  }
0x2: {  	s7 =	rddreg [dreg:$0x0];
	s0 =	stileid.u32  }
0x3: {  	s2 =	rddreg [dreg:$0x1];
	s9 =	simm.s32 $0x4000;
	s10 =	simm.s32 $0x3  }
0x4: {  	s11 =	simm.s32 $0x4;
	s12 =	simm.s32 $0x0;
	s5 =	sand.u32 $0x1, s1  }
0x5: {  	s3 =	sshll.u32 s0, $0xA;
	s1 =	rddreg [dreg:$0x2];
	s4 =	sshll.u32 s5, $0x9  }
0x6: {  	s6 =	ssub.s32 $0x2, s5;
	s3 =	sor.u32 s4, s3;
	s4 =	simm.s32 $0x0  }
0x7: {  	s8 =	sshrl.u32 s6, $0x1;
	s31 =	sshll.u32 s3, $0x5;
	[smem:$0x7FF] =	sst s4  }
0x8: {  	s8 =	ssub.s32 s6, s8;
	s5 =	sadd.s32 s7, s31;
	_ =	strace $0x80000047  }
0x9: {  	v0 =	vimm.f32 $-1.000000000e+01;
	s7 =	sadd.s32 $0x1000, s7;
	s8 =	smax.u32 s8, $0x1;
	s6 =	sadd.s32 $0x800, s5  }
.LBB2_1:
0xa: {  	[tilespmem:s4], [sflag:$0x1] =	stream.linear.gather [hbm4b:s5+s4], $0x4000, $0x38;
	[tilespmem:$0x10000] =	vst v63  }
0xb: {  	s13 =	simm.s32 $0x0;
	s14 =	simm.s32 $0x0  }
0xc: {  	[tilespmem:s9], [sflag:$0x2] =	stream.linear.gather [hbm4b:s6+s4], $0x4000, $0x38;
	[tilespmem:$0x10000] =	vst v63  }
.LBB2_2:
0xd: {  	s15 =	sand.u32 $0x1, s14  }
0xe: {  	p0 =	seq.s32 s15, $0x1  }
0xf: {  	s16 =	simm.s32 @!p0 $0x1  }
0x10: {  	_ =	swait.ge @!p0 [sflag:s16], $0x4000  }
0x11: {  	p1 =	seq.s32 s15, $0x0;
	[sflag:s16] =	ssyncset.done @!p0 $0x0  }
0x12: {  	p2 =	slt.u32 s14, $0x2;
	[sflag:s16] =	ssyncadd.s32 @!p0 $0xFFFFC000;
	s16 =	simm.s32 @!p1 $0x2  }
0x13: {  	p3 =	sne.s32 @!p2 s15, $0x0;
	_ =	swait.ge @!p1 [sflag:s16], $0x4000  }
0x14: {  	p3 =	por p3, p2;
	[sflag:s16] =	ssyncset.done @!p1 $0x0  }
0x15: {  	[sflag:s16] =	ssyncadd.s32 @!p1 $0xFFFFC000;
	s16 =	simm.s32 @!p3 $0x3  }
0x16: {  	p1 =	por !p0, !p0;
	_ =	swait.ge @!p3 [sflag:s16], $0x4000  }
0x17: {  	p2 =	por p2, p1;
	[sflag:s16] =	ssyncset.done @!p3 $0x0  }
0x18: {  	[sflag:s16] =	ssyncadd.s32 @!p3 $0xFFFFC000;
	s16 =	simm.s32 @!p2 $0x4  }
0x19: {  	s17 =	simm.s32 $0x0;
	_ =	swait.ge @!p2 [sflag:s16], $0x4000  }
0x1a: {  	s18 =	sand.u32 $0x7800, s13;
	s17 =	sand.u32 $0x380, s17;
	[sflag:s16] =	ssyncset.done @!p2 $0x0  }
0x1b: {  	[sflag:s16] =	ssyncadd.s32 @!p2 $0xFFFFC000;
	s16 =	sor.u32 s17, s18  }
0x1c: {  	v8 =	vld [tilespmem:s16+$0x70]  }
0x1d: {  	v1 =	vld [tilespmem:s16+$0x0]  }
0x1e: {  	v2 =	vld [tilespmem:s16+$0x10]  }
0x1f: {  	v6 =	vld [tilespmem:s16+$0x20]  }
0x20: {  	v9 =	vld [tilespmem:s16+$0x40]  }
0x21: {  	v10 =	vld [tilespmem:s16+$0x50];
	v3 =	vand.u32 $0x7FFFFFFF, v8  }
0x22: {  	v13 =	vld [tilespmem:s16+$0x400];
	v3 =	vsub.f32 $0.0e+00, v3  }
0x23: {  	v15 =	vld [tilespmem:s16+$0x410]  }
0x24: {  	v17 =	vld [tilespmem:s16+$0x420];
	v3 =	vmul.f32 $1.442695020e+00, v3  }
0x25: {  	v7 =	vld [tilespmem:s16+$0x30]  }
0x26: {  	v18 =	vld [tilespmem:s16+$0x430];
	(erf) = vpow2.f32 v3  }
0x27: {  	v20 =	vld [tilespmem:s16+$0x450];
	v4 =	vand.u32 $0x7FFFFFFF, v1;
	v12 =	vand.u32 $0x7FFFFFFF, v2;
	v5 =	vmax.f32 v1, $0.0e+00  }
0x28: {  	v14 =	vand.u32 $0x7FFFFFFF, v9;
	v16 =	vand.u32 $0x7FFFFFFF, v10;
	vm1 =	veq.f32 v13, $0.0e+00  }
0x29: {  	v21 =	vld [tilespmem:s16+$0x460];
	vm2 =	veq.f32 v15, $0.0e+00;
	vm3 =	veq.f32 v17, $0.0e+00;
	v11 =	vsub.f32 $0.0e+00, v4  }
0x2a: {  	v4 =	vmax.f32 v2, $0.0e+00;
	v1 =	vsub.f32 $0.0e+00, v12;
	v2 =	vand.u32 $0x7FFFFFFF, v6  }
0x2b: {  	vm4 =	veq.f32 v18, $0.0e+00;
	v2 =	vsub.f32 $0.0e+00, v2;
	v11 =	vmul.f32 $1.442695020e+00, v11;
	v3 =	vld [tilespmem:s16+$0x60]  }
0x2c: {  	vm6 =	veq.f32 v20, $0.0e+00;
	v12 =	vand.u32 $0x7FFFFFFF, v7;
	v1 =	vmul.f32 $1.442695020e+00, v1  }
0x2d: {  	v12 =	vsub.f32 $0.0e+00, v12;
	v2 =	vmul.f32 $1.442695020e+00, v2;
	(erf) = vpow2.f32 v11  }
0x2e: {  	vm7 =	veq.f32 v21, $0.0e+00;
	v14 =	vsub.f32 $0.0e+00, v14;
	(erf) = vpow2.f32 v1  }
0x2f: {  	v16 =	vsub.f32 $0.0e+00, v16;
	v12 =	vmul.f32 $1.442695020e+00, v12;
	v11 =	vld [tilespmem:s16+$0x440];
	(erf) = vpow2.f32 v2;
	v22 =	vpop (erf)  }
0x30: {  	v2 =	vmax.f32 v10, $0.0e+00;
	v19 =	vand.u32 $0x7FFFFFFF, v3;
	v10 =	vmul.f32 $7.389879970e-02, v22  }
0x31: {  	v8 =	vmax.f32 v8, $0.0e+00;
	v14 =	vmul.f32 $1.442695020e+00, v14;
	v19 =	vsub.f32 $0.0e+00, v19  }
0x32: {  	v16 =	vmul.f32 $1.442695020e+00, v16;
	(erf) = vpow2.f32 v12;
	v10 =	vsub.f32 $2.518742980e-01, v10  }
0x33: {  	v1 =	vmax.f32 v9, $0.0e+00;
	v9 =	vld [tilespmem:s16+$0x470];
	v19 =	vmul.f32 $1.442695020e+00, v19;
	(erf) = vpow2.f32 v14  }
0x34: {  	vm5 =	veq.f32 v11, $0.0e+00;
	(erf) = vpow2.f32 v16;
	v11 =	vmul.f32 v10, v22  }
0x35: {  	v6 =	vmax.f32 v6, $0.0e+00;
	v7 =	vmax.f32 v7, $0.0e+00;
	(erf) = vpow2.f32 v19  }
0x36: {  	v17 =	vsel vm2, $0x7FC00000, v0;
	v18 =	vsel vm3, $0x7FC00000, v0;
	v10 =	vpop (erf);
	v13 =	vadd.f32 $-4.846352340e-01, v11  }
0x37: {  	v21 =	vsel vm6, $0x7FC00000, v0;
	v27 =	vsel vm7, $0x7FC00000, v0;
	v12 =	vmul.f32 $7.389879970e-02, v10  }
0x38: {  	v3 =	vmax.f32 v3, $0.0e+00;
	vm0 =	veq.f32 v9, $0.0e+00;
	v9 =	vpop (erf);
	v23 =	vmul.f32 v13, v22  }
0x39: {  	v20 =	vsel vm5, $0x7FC00000, v0;
	v14 =	vmul.f32 $7.389879970e-02, v9;
	v15 =	vsub.f32 $2.518742980e-01, v12  }
0x3a: {  	v62 =	vsel vm0, $0x7FC00000, v0;
	v16 =	vsel vm1, $0x7FC00000, v0;
	v11 =	vpop (erf);
	v23 =	vadd.f32 $9.993012540e-01, v23  }
0x3b: {  	[tilespmem:s16+$0x8410] =	vst v17;
	v24 =	vmul.f32 $7.389879970e-02, v11;
	v25 =	vsub.f32 $2.518742980e-01, v14;
	v12 =	vpop (erf);
	v29 =	vmul.f32 v15, v10  }
0x3c: {  	[tilespmem:s16+$0x8440] =	vst v20;
	v19 =	vsel vm4, $0x7FC00000, v0;
	v26 =	vmul.f32 $7.389879970e-02, v12;
	v13 =	vpop (erf);
	v22 =	vmul.f32 v23, v22  }
0x3d: {  	[tilespmem:s16+$0x8400] =	vst v16;
	v24 =	vsub.f32 $2.518742980e-01, v24;
	v25 =	vmul.f32 v25, v9;
	v28 =	vmul.f32 $7.389879970e-02, v13;
	v14 =	vpop (erf)  }
0x3e: {  	v20 =	vadd.f32 $-4.846352340e-01, v29;
	v30 =	vmul.f32 $7.389879970e-02, v14;
	v15 =	vpop (erf);
	v16 =	vsub.f32 $2.518742980e-01, v26  }
0x3f: {  	[tilespmem:s16+$0x8450] =	vst v21;
	v22 =	vadd.f32 v22, v8;
	v21 =	vadd.f32 $-4.846352340e-01, v25;
	v23 =	vmul.f32 $7.389879970e-02, v15  }
0x40: {  	[tilespmem:s16+$0x8420] =	vst v18;
	v18 =	vmul.f32 v24, v11;
	v17 =	vsub.f32 $2.518742980e-01, v28;
	v61 =	vsub.f32 $2.518742980e-01, v30  }
0x41: {  	v20 =	vmul.f32 v20, v10;
	v16 =	vmul.f32 v16, v12;
	v23 =	vsub.f32 $2.518742980e-01, v23  }
0x42: {  	[tilespmem:s16+$0x8430] =	vst v19;
	v24 =	vadd.f32 $-4.846352340e-01, v18;
	v17 =	vmul.f32 v17, v13;
	v19 =	vmul.f32 v61, v14  }
0x43: {  	s19 =	simm.s32 $0x80;
	[tilespmem:s16+$0x8460] =	vst v27;
	v18 =	vmul.f32 v21, v9;
	v63 =	vadd.f32 $-4.846352340e-01, v16;
	v23 =	vmul.f32 v23, v15  }
0x44: {  	s31 =	sshll.u32 s14, $0x6;
	s21 =	sand.u32 $0x380, s19;
	s18 =	sadd.s32 $0x100, s13;
	[tilespmem:s16+$0x8470] =	vst v62;
	v21 =	vmul.f32 v24, v11;
	v8 =	vadd.f32 $-4.846352340e-01, v17;
	v17 =	vadd.f32 $-4.846352340e-01, v19  }
0x45: {  	s19 =	simm.s32 $0x100;
	s17 =	sadd.s32 s3, s31;
	s20 =	sand.u32 $0x7800, s18;
	[tilespmem:s16+$0x8070] =	vst v22;
	v19 =	vadd.f32 $9.993012540e-01, v20;
	v20 =	vmul.f32 v63, v12;
	v16 =	vadd.f32 $-4.846352340e-01, v23  }
.LBB2_3:
0x46: {  	p2 =	sne.s32 s19, $0x1F80;
	s20 =	sor.u32 s21, s20;
	v18 =	vadd.f32 $9.993012540e-01, v18;
	v22 =	vmul.f32 v8, v13;
	v17 =	vmul.f32 v17, v14  }
0x47: {  	v16 =	vmul.f32 v16, v15;
	v8 =	vld [tilespmem:s20+$0x70];
	v21 =	vadd.f32 $9.993012540e-01, v21;
	v20 =	vadd.f32 $9.993012540e-01, v20  }
0x48: {  	v10 =	vmul.f32 v19, v10;
	v23 =	vld [tilespmem:s20+$0x0];
	v19 =	vadd.f32 $9.993012540e-01, v22;
	v17 =	vadd.f32 $9.993012540e-01, v17  }
0x49: {  	v9 =	vmul.f32 v18, v9;
	v16 =	vadd.f32 $9.993012540e-01, v16;
	v22 =	vld [tilespmem:s20+$0x10];
	v11 =	vmul.f32 v21, v11  }
0x4a: {  	v5 =	vadd.f32 v10, v5;
	v10 =	vmul.f32 v20, v12;
	v18 =	vld [tilespmem:s20+$0x20];
	v12 =	vmul.f32 v19, v13  }
0x4b: {  	v4 =	vadd.f32 v9, v4;
	v9 =	vmul.f32 v17, v14;
	v14 =	vmul.f32 v16, v15;
	v13 =	vld [tilespmem:s20+$0x30]  }
0x4c: {  	v6 =	vadd.f32 v11, v6;
	v7 =	vadd.f32 v10, v7;
	v15 =	vld [tilespmem:s20+$0x40];
	v16 =	vand.u32 $0x7FFFFFFF, v8;
	[tilespmem:s16+$0x8000] =	vst v5  }
0x4d: {  	v10 =	vand.u32 $0x7FFFFFFF, v23;
	v5 =	vmax.f32 v23, $0.0e+00;
	v11 =	vld [tilespmem:s20+$0x50];
	v16 =	vsub.f32 $0.0e+00, v16;
	[tilespmem:s16+$0x8010] =	vst v4  }
0x4e: {  	v10 =	vsub.f32 $0.0e+00, v10;
	v17 =	vand.u32 $0x7FFFFFFF, v22;
	v4 =	vmax.f32 v22, $0.0e+00;
	v19 =	vld [tilespmem:s20+$0x60];
	[tilespmem:s16+$0x8020] =	vst v6  }
0x4f: {  	v6 =	vsub.f32 $0.0e+00, v17;
	v17 =	vand.u32 $0x7FFFFFFF, v18;
	v16 =	vmul.f32 $1.442695020e+00, v16;
	v20 =	vld [tilespmem:s20+$0x400];
	[tilespmem:s16+$0x8030] =	vst v7  }
0x50: {  	v7 =	vmul.f32 $1.442695020e+00, v10;
	v10 =	vsub.f32 $0.0e+00, v17;
	v17 =	vand.u32 $0x7FFFFFFF, v13;
	v21 =	vld [tilespmem:s20+$0x410]  }
0x51: {  	v17 =	vsub.f32 $0.0e+00, v17;
	v22 =	vand.u32 $0x7FFFFFFF, v15;
	v23 =	vld [tilespmem:s20+$0x420];
	(erf) = vpow2.f32 v16  }
0x52: {  	v16 =	vmul.f32 $1.442695020e+00, v6;
	v6 =	vsub.f32 $0.0e+00, v22;
	v22 =	vand.u32 $0x7FFFFFFF, v11;
	v24 =	vld [tilespmem:s20+$0x430]  }
0x53: {  	v10 =	vmul.f32 $1.442695020e+00, v10;
	v22 =	vsub.f32 $0.0e+00, v22;
	v25 =	vand.u32 $0x7FFFFFFF, v19;
	v26 =	vld [tilespmem:s20+$0x440]  }
0x54: {  	v17 =	vmul.f32 $1.442695020e+00, v17;
	v27 =	vmul.f32 $1.442695020e+00, v6;
	v25 =	vsub.f32 $0.0e+00, v25;
	v28 =	vld [tilespmem:s20+$0x450]  }
0x55: {  	v6 =	vmax.f32 v18, $0.0e+00;
	v18 =	vmul.f32 $1.442695020e+00, v22;
	v22 =	vld [tilespmem:s20+$0x460];
	(erf) = vpow2.f32 v7  }
0x56: {  	v7 =	vmax.f32 v13, $0.0e+00;
	v13 =	vmul.f32 $1.442695020e+00, v25;
	v25 =	vld [tilespmem:s20+$0x470];
	(erf) = vpow2.f32 v16  }
0x57: {  	v15 =	vmax.f32 v15, $0.0e+00;
	v11 =	vmax.f32 v11, $0.0e+00;
	(erf) = vpow2.f32 v10  }
0x58: {  	v12 =	vadd.f32 v12, v1;
	v1 =	vmovc v15;
	v10 =	vmax.f32 v19, $0.0e+00;
	(erf) = vpow2.f32 v17  }
0x59: {  	v9 =	vadd.f32 v9, v2;
	v14 =	vadd.f32 v14, v3;
	v2 =	vmovc v11;
	v3 =	vmovc v10;
	(erf) = vpow2.f32 v27  }
0x5a: {  	vm1 =	veq.f32 v20, $0.0e+00;
	vm2 =	veq.f32 v21, $0.0e+00;
	(erf) = vpow2.f32 v18;
	v16 =	vpop (erf);
	[tilespmem:s16+$0x8040] =	vst v12  }
0x5b: {  	vm3 =	veq.f32 v23, $0.0e+00;
	v15 =	vmul.f32 $7.389879970e-02, v16;
	(erf) = vpow2.f32 v13;
	[tilespmem:s16+$0x8050] =	vst v9  }
0x5c: {  	vm4 =	veq.f32 v24, $0.0e+00;
	vm5 =	veq.f32 v26, $0.0e+00;
	vm6 =	veq.f32 v28, $0.0e+00;
	[tilespmem:s16+$0x8060] =	vst v14;
	s16 =	smov.u32 s20  }
0x5d: {  	vm7 =	veq.f32 v22, $0.0e+00;
	vm0 =	veq.f32 v25, $0.0e+00;
	v18 =	vsub.f32 $2.518742980e-01, v15  }
0x5e: {  	v21 =	vsel vm1, $0x7FC00000, v0;
	v12 =	vsel vm2, $0x7FC00000, v0;
	v13 =	vsel vm3, $0x7FC00000, v0;
	v10 =	vpop (erf)  }
0x5f: {  	v17 =	vsel vm4, $0x7FC00000, v0;
	v14 =	vmul.f32 $7.389879970e-02, v10;
	v15 =	vmul.f32 v18, v16;
	[tilespmem:s16+$0x8400] =	vst v21;
	v9 =	vpop (erf)  }
0x60: {  	v19 =	vsel vm5, $0x7FC00000, v0;
	v20 =	vsel vm6, $0x7FC00000, v0;
	v18 =	vmul.f32 $7.389879970e-02, v9;
	[tilespmem:s16+$0x8410] =	vst v12;
	v11 =	vpop (erf)  }
0x61: {  	v21 =	vsub.f32 $2.518742980e-01, v14;
	v27 =	vmul.f32 $7.389879970e-02, v11;
	v28 =	vadd.f32 $-4.846352340e-01, v15;
	v12 =	vpop (erf)  }
0x62: {  	v23 =	vsel vm7, $0x7FC00000, v0;
	v18 =	vsub.f32 $2.518742980e-01, v18;
	v22 =	vmul.f32 $7.389879970e-02, v12;
	[tilespmem:s16+$0x8420] =	vst v13;
	v13 =	vpop (erf)  }
0x63: {  	v24 =	vsub.f32 $2.518742980e-01, v27;
	v25 =	vmul.f32 $7.389879970e-02, v13;
	v26 =	vmul.f32 v28, v16;
	[tilespmem:s16+$0x8430] =	vst v17;
	v14 =	vpop (erf)  }
0x64: {  	v17 =	vmul.f32 v21, v10;
	v21 =	vsub.f32 $2.518742980e-01, v22;
	v22 =	vmul.f32 $7.389879970e-02, v14;
	[tilespmem:s16+$0x8440] =	vst v19;
	v15 =	vpop (erf)  }
0x65: {  	v19 =	vsub.f32 $2.518742980e-01, v25;
	v25 =	vmul.f32 $7.389879970e-02, v15;
	v26 =	vadd.f32 $9.993012540e-01, v26  }
0x66: {  	v18 =	vmul.f32 v18, v9;
	v24 =	vmul.f32 v24, v11;
	v22 =	vsub.f32 $2.518742980e-01, v22;
	[tilespmem:s16+$0x8450] =	vst v20  }
0x67: {  	v20 =	vmul.f32 v21, v12;
	v21 =	vsub.f32 $2.518742980e-01, v25;
	v16 =	vmul.f32 v26, v16;
	[tilespmem:s16+$0x8460] =	vst v23  }
0x68: {  	v8 =	vmax.f32 v8, $0.0e+00;
	v19 =	vmul.f32 v19, v13;
	v22 =	vmul.f32 v22, v14  }
.Ltmp0:
0x69: {  	v17 =	vadd.f32 $-4.846352340e-01, v17;
	v21 =	vmul.f32 v21, v15;
	v16 =	vadd.f32 v16, v8;
	(pc) =	sbr.rel @p2 .LBB2_3-.Ltmp0, $4  }
0x6a: {  	v18 =	vadd.f32 $-4.846352340e-01, v18;
	v23 =	vadd.f32 $-4.846352340e-01, v24;
	v24 =	vsel vm0, $0x7FC00000, v0  }
0x6b: {  	v25 =	vmul.f32 v17, v10;
	v20 =	vadd.f32 $-4.846352340e-01, v20;
	v8 =	vadd.f32 $-4.846352340e-01, v19;
	[tilespmem:s16+$0x8070] =	vst v16  }
0x6c: {  	s18 =	sadd.s32 $0x100, s18;
	v18 =	vmul.f32 v18, v9;
	v17 =	vadd.f32 $-4.846352340e-01, v22;
	v16 =	vadd.f32 $-4.846352340e-01, v21;
	[tilespmem:s16+$0x8470] =	vst v24  }
0x6d: {  	s21 =	sand.u32 $0x380, s19;
	s19 =	sadd.s32 $0x80, s19;
	s20 =	sand.u32 $0x7800, s18;
	v19 =	vadd.f32 $9.993012540e-01, v25;
	v20 =	vmul.f32 v20, v12;
	v21 =	vmul.f32 v23, v11  }
0x6e: {  	s18 =	sor.u32 s21, s20  }
0x6f: {  	v18 =	vadd.f32 $9.993012540e-01, v18;
	v8 =	vmul.f32 v8, v13;
	v22 =	vld [tilespmem:s18+$0x70]  }
0x70: {  	v17 =	vmul.f32 v17, v14;
	v16 =	vmul.f32 v16, v15;
	v21 =	vadd.f32 $9.993012540e-01, v21  }
0x71: {  	v23 =	vld [tilespmem:s18+$0x0];
	v10 =	vmul.f32 v19, v10;
	v20 =	vadd.f32 $9.993012540e-01, v20;
	v8 =	vadd.f32 $9.993012540e-01, v8  }
0x72: {  	v38 =	vld [tilespmem:s18+$0x10];
	v9 =	vmul.f32 v18, v9;
	v17 =	vadd.f32 $9.993012540e-01, v17;
	v16 =	vadd.f32 $9.993012540e-01, v16  }
0x73: {  	v24 =	vld [tilespmem:s18+$0x20];
	v10 =	vadd.f32 v10, v5;
	v11 =	vmul.f32 v21, v11;
	v12 =	vmul.f32 v20, v12  }
0x74: {  	v39 =	vld [tilespmem:s18+$0x30];
	v9 =	vadd.f32 v9, v4;
	v8 =	vmul.f32 v8, v13;
	v25 =	vand.u32 $0x7FFFFFFF, v22  }
0x75: {  	v41 =	vmul.f32 v17, v14;
	v43 =	vmul.f32 v16, v15;
	v25 =	vsub.f32 $0.0e+00, v25  }
0x76: {  	v5 =	vld [tilespmem:s18+$0x40];
	[tilespmem:s16+$0x8000] =	vst v10;
	v11 =	vadd.f32 v11, v6;
	v12 =	vadd.f32 v12, v7;
	v42 =	vand.u32 $0x7FFFFFFF, v23  }
0x77: {  	v4 =	vld [tilespmem:s18+$0x50];
	[tilespmem:s16+$0x8010] =	vst v9;
	v45 =	vand.u32 $0x7FFFFFFF, v38;
	v44 =	vsub.f32 $0.0e+00, v42;
	v40 =	vmul.f32 $1.442695020e+00, v25  }
0x78: {  	v7 =	vmax.f32 v23, $0.0e+00;
	v47 =	vand.u32 $0x7FFFFFFF, v24;
	v6 =	vld [tilespmem:s18+$0x60];
	[tilespmem:s16+$0x8020] =	vst v11;
	v46 =	vsub.f32 $0.0e+00, v45  }
0x79: {  	v49 =	vand.u32 $0x7FFFFFFF, v39;
	v48 =	vld [tilespmem:s18+$0x400];
	[tilespmem:s16+$0x8030] =	vst v12;
	v10 =	vmul.f32 $1.442695020e+00, v44;
	(erf) = vpow2.f32 v40  }
0x7a: {  	v19 =	vmax.f32 v38, $0.0e+00;
	v24 =	vmax.f32 v24, $0.0e+00;
	v53 =	vld [tilespmem:s18+$0x410];
	v11 =	vmul.f32 $1.442695020e+00, v46  }
0x7b: {  	v18 =	vmax.f32 v39, $0.0e+00;
	v1 =	vadd.f32 v8, v1;
	v55 =	vld [tilespmem:s18+$0x420];
	(erf) = vpow2.f32 v10  }
0x7c: {  	v2 =	vadd.f32 v41, v2;
	v3 =	vadd.f32 v43, v3;
	v57 =	vld [tilespmem:s18+$0x430];
	(erf) = vpow2.f32 v11  }
0x7d: {  	v22 =	vmax.f32 v22, $0.0e+00;
	v50 =	vsub.f32 $0.0e+00, v47;
	v52 =	vand.u32 $0x7FFFFFFF, v5;
	v26 =	vld [tilespmem:s18+$0x440]  }
0x7e: {  	v51 =	vsub.f32 $0.0e+00, v49;
	v16 =	vsub.f32 $0.0e+00, v52;
	v58 =	vld [tilespmem:s18+$0x450];
	v54 =	vand.u32 $0x7FFFFFFF, v4  }
0x7f: {  	v12 =	vmul.f32 $1.442695020e+00, v50;
	v27 =	vld [tilespmem:s18+$0x460];
	v20 =	vsub.f32 $0.0e+00, v54;
	v56 =	vand.u32 $0x7FFFFFFF, v6  }
0x80: {  	v14 =	vmul.f32 $1.442695020e+00, v51;
	v16 =	vmul.f32 $1.442695020e+00, v16;
	v23 =	vsub.f32 $0.0e+00, v56  }
0x81: {  	v28 =	vld [tilespmem:s18+$0x470];
	vm1 =	veq.f32 v48, $0.0e+00;
	v20 =	vmul.f32 $1.442695020e+00, v20;
	vm2 =	veq.f32 v53, $0.0e+00  }
0x82: {  	vm3 =	veq.f32 v55, $0.0e+00;
	vm4 =	veq.f32 v57, $0.0e+00;
	v59 =	vpop (erf);
	(erf) = vpow2.f32 v12  }
0x83: {  	vm5 =	veq.f32 v26, $0.0e+00;
	vm6 =	veq.f32 v58, $0.0e+00;
	v60 =	vmul.f32 $7.389879970e-02, v59  }
0x84: {  	vm7 =	veq.f32 v27, $0.0e+00;
	v23 =	vmul.f32 $1.442695020e+00, v23;
	(erf) = vpow2.f32 v14;
	v37 =	vpop (erf)  }
0x85: {  	(erf) = vpow2.f32 v16;
	v38 =	vmul.f32 $7.389879970e-02, v37;
	v40 =	vpop (erf);
	v61 =	vsub.f32 $2.518742980e-01, v60  }
0x86: {  	vm0 =	veq.f32 v28, $0.0e+00;
	(erf) = vpow2.f32 v20;
	v41 =	vmul.f32 $7.389879970e-02, v40  }
0x87: {  	(erf) = vpow2.f32 v23;
	v14 =	vsub.f32 $2.518742980e-01, v38;
	v8 =	vmul.f32 v61, v59  }
0x88: {  	v62 =	vsel vm1, $0x7FC00000, v0;
	v63 =	vsel vm2, $0x7FC00000, v0;
	v17 =	vsub.f32 $2.518742980e-01, v41  }
0x89: {  	v36 =	vsel vm3, $0x7FC00000, v0;
	v49 =	vmul.f32 v14, v37;
	v8 =	vadd.f32 $-4.846352340e-01, v8  }
0x8a: {  	v39 =	vsel vm4, $0x7FC00000, v0;
	v42 =	vsel vm5, $0x7FC00000, v0;
	v17 =	vmul.f32 v17, v40  }
0x8b: {  	v43 =	vsel vm6, $0x7FC00000, v0;
	v11 =	vadd.f32 $-4.846352340e-01, v49;
	v8 =	vmul.f32 v8, v59;
	v44 =	vpop (erf)  }
0x8c: {  	v48 =	vsel vm7, $0x7FC00000, v0;
	v54 =	vadd.f32 $-4.846352340e-01, v17;
	v45 =	vmul.f32 $7.389879970e-02, v44  }
0x8d: {  	v55 =	vsel vm0, $0x7FC00000, v0;
	v46 =	vpop (erf);
	v11 =	vmul.f32 v11, v37;
	v8 =	vadd.f32 $9.993012540e-01, v8  }
0x8e: {  	[tilespmem:s16+$0x8040] =	vst v1;
	v47 =	vmul.f32 $7.389879970e-02, v46;
	v29 =	vpop (erf);
	v57 =	vmul.f32 v54, v40;
	v25 =	vsub.f32 $2.518742980e-01, v45  }
0x8f: {  	[tilespmem:s16+$0x8050] =	vst v2;
	v30 =	vmul.f32 $7.389879970e-02, v29;
	v31 =	vpop (erf);
	v11 =	vadd.f32 $9.993012540e-01, v11;
	v8 =	vmul.f32 v8, v59  }
0x90: {  	v50 =	vmul.f32 $7.389879970e-02, v31;
	v32 =	vpop (erf);
	v27 =	vsub.f32 $2.518742980e-01, v47;
	v12 =	vadd.f32 $9.993012540e-01, v57  }
0x91: {  	[tilespmem:s16+$0x8060] =	vst v3;
	v51 =	vmul.f32 $7.389879970e-02, v32;
	v1 =	vsub.f32 $2.518742980e-01, v30;
	v2 =	vmul.f32 v25, v44  }
0x92: {  	[tilespmem:s18+$0x8400] =	vst v62;
	v8 =	vadd.f32 v8, v22;
	v14 =	vsub.f32 $2.518742980e-01, v50;
	v52 =	vmul.f32 v27, v46  }
0x93: {  	[tilespmem:s18+$0x8410] =	vst v63;
	v22 =	vsub.f32 $2.518742980e-01, v51;
	v1 =	vmul.f32 v1, v29;
	v2 =	vadd.f32 $-4.846352340e-01, v2  }
0x94: {  	[tilespmem:s18+$0x8420] =	vst v36;
	v11 =	vmul.f32 v11, v37;
	v3 =	vmul.f32 v14, v31;
	v56 =	vadd.f32 $-4.846352340e-01, v52  }
0x95: {  	[tilespmem:s18+$0x8430] =	vst v39;
	v53 =	vmul.f32 v22, v32;
	v1 =	vadd.f32 $-4.846352340e-01, v1;
	v2 =	vmul.f32 v2, v44  }
0x96: {  	[tilespmem:s18+$0x8440] =	vst v42;
	v12 =	vmul.f32 v12, v40;
	v3 =	vadd.f32 $-4.846352340e-01, v3;
	v58 =	vmul.f32 v56, v46  }
0x97: {  	[tilespmem:s18+$0x8450] =	vst v43;
	v9 =	vadd.f32 $-4.846352340e-01, v53;
	v1 =	vmul.f32 v1, v29;
	v2 =	vadd.f32 $9.993012540e-01, v2  }
0x98: {  	[tilespmem:s18+$0x8460] =	vst v48;
	v7 =	vadd.f32 v11, v7;
	v3 =	vmul.f32 v3, v31;
	v59 =	vadd.f32 $9.993012540e-01, v58  }
0x99: {  	[tilespmem:s18+$0x8470] =	vst v55;
	v9 =	vmul.f32 v9, v32;
	v1 =	vadd.f32 $9.993012540e-01, v1;
	v2 =	vmul.f32 v2, v44  }
0x9a: {  	[tilespmem:s18+$0x8070] =	vst v8;
	v61 =	vadd.f32 v12, v19;
	v3 =	vadd.f32 $9.993012540e-01, v3;
	v60 =	vmul.f32 v59, v46  }
0x9b: {  	[tilespmem:s18+$0x8000] =	vst v7;
	v9 =	vadd.f32 $9.993012540e-01, v9;
	v1 =	vmul.f32 v1, v29;
	v2 =	vadd.f32 v2, v24  }
0x9c: {  	v5 =	vmax.f32 v5, $0.0e+00;
	[tilespmem:s18+$0x8010] =	vst v61;
	v3 =	vmul.f32 v3, v31;
	v62 =	vadd.f32 v60, v18  }
0x9d: {  	v4 =	vmax.f32 v4, $0.0e+00;
	v63 =	vmul.f32 v9, v32;
	[tilespmem:s18+$0x8020] =	vst v2;
	v1 =	vadd.f32 v1, v5  }
0x9e: {  	v2 =	vmax.f32 v6, $0.0e+00;
	[tilespmem:s18+$0x8030] =	vst v62;
	v3 =	vadd.f32 v3, v4  }
0x9f: {  	p2 =	sne.s32 s15, $0x0;
	v2 =	vadd.f32 v63, v2;
	[tilespmem:s18+$0x8040] =	vst v1  }
0xa0: {  	s16 =	sshll.u32 @!p2 s17, $0x5;
	[tilespmem:s18+$0x8050] =	vst v3  }
0xa1: {  	s19 =	simm.s32 @!p2 $0x8000;
	s16 =	sadd.s32 @!p2 s2, s16;
	[tilespmem:s18+$0x8060] =	vst v2;
	s18 =	simm.s32 @!p2 $0x0  }
0xa2: {  	[hbm4b:s16+s18] =	stream.linear.scatter @!p2 [tilespmem:s19], [sflag:$0x3], $0x4000, $0x38;
	[tilespmem:$0x10000] =	vst v63  }
0xa3: {  	s16 =	sshll.u32 @p0 s17, $0x5  }
0xa4: {  	s18 =	simm.s32 @p0 $0x0;
	s19 =	simm.s32 @p0 $0xC000;
	s16 =	sadd.s32 @p0 s2, s16  }
0xa5: {  	[hbm4b:s16+s18] =	stream.linear.scatter @p0 [tilespmem:s19], [sflag:$0x4], $0x4000, $0x38;
	[tilespmem:$0x10000] =	vst v63  }
0xa6: {  	p0 =	sgt.u32 s14, $0x5  }
0xa7: {  	p2 =	sne.s32 @!p0 s15, $0x0  }
0xa8: {  	p2 =	por p2, p0  }
0xa9: {  	s15 =	sshll.u32 @!p2 s17, $0x5  }
0xaa: {  	p0 =	por p0, p1;
	s16 =	simm.s32 @!p2 $0x0;
	s15 =	sadd.s32 @!p2 s15, s7  }
0xab: {  	[tilespmem:s16], [sflag:$0x1] =	stream.linear.gather @!p2 [hbm4b:s15+s16], $0x4000, $0x38;
	[tilespmem:$0x10000] =	vst v63  }
0xac: {  	s14 =	sadd.s32 $0x1, s14;
	s15 =	sshll.u32 @!p0 s17, $0x5  }
0xad: {  	s16 =	simm.s32 @!p0 $0x0;
	s17 =	simm.s32 @!p0 $0x4000;
	s15 =	sadd.s32 @!p0 s15, s7  }
0xae: {  	[tilespmem:s17], [sflag:$0x2] =	stream.linear.gather @!p0 [hbm4b:s15+s16], $0x4000, $0x38;
	[tilespmem:$0x10000] =	vst v63  }
0xaf: {  	p0 =	sne.s32 s14, $0x8  }
.Ltmp1:
0xb0: {  	_ = 	snop;
	(pc) =	sbr.rel @p0 .LBB2_2-.Ltmp1, $2  }
0xb1: {  	_ =	sdelay $0x2  }
0xb2: {  	s13 =	sadd.s32 $0x4000, s13  }
0xb3: {  	s12 =	sadd.s32 $0x1, s12  }
0xb4: {  	_ =	swait.ge [sflag:s10], $0x4000;
	p0 =	sne.s32 s12, s8  }
.Ltmp2:
0xb5: {  	[sflag:s10] =	ssyncset.done $0x0;
	(pc) =	sbr.rel @p0 .LBB2_1-.Ltmp2, $4  }
0xb6: {  	[sflag:s10] =	ssyncadd.s32 $0xFFFFC000  }
0xb7: {  	_ =	swait.ge [sflag:s11], $0x4000  }
0xb8: {  	[sflag:s11] =	ssyncset.done $0x0  }
0xb9: {  	[sflag:s11] =	ssyncadd.s32 $0xFFFFC000  }
0xba: {  	_ =	sfence.sel $0x180000  }
0xbb: {  	[bflag:$0x0] =	sbarrier.arrive $0xFFFF  }
0xbc: {  	p0 =	sne.s32 s0, $0x0;
	_ =	strace $0x90000047  }
0xbd: {  	s0 =	sadd.s32 @!p0 $0x100000, s1;
	[bflag:$0x2] =	sbarrier.arrive $0xFFFF  }
0xbe: {  	[sflag:s0] =	ssyncadd.tile.s32 @!p0 $0x1;
	_ =	shalt  }
.Lfunc_end2:
_tile_overlayer_lowered:
.L_overlay_start_2:
0xbf: {  	(tag) =	ssettag $0x2  }
0xc0: {  	s0 =	rddreg [dreg:$0x0];
	s2 =	stileid.u32  }
0xc1: {  	s1 =	rddreg [dreg:$0x1];
	p0 =	sne.s32 s2, $0x0  }
0xc2: {  	s3 =	rddreg [dreg:$0x2];
	[bflag:$0x3] =	sbarrier.arrive $0xFFFF;
	s2 =	simm.s32 @!p0 $0x1C05  }
0xc3: {  	[timem:s3], [sflag:s2] =	dma.local @!p0 [hbm:s0], s1  }
0xc4: {  	s0 =	simm.s32 @!p0 $0x5  }
0xc5: {  	_ =	swait.ge @!p0 [sflag:s0], s1  }
0xc6: {  	s1 =	ssub.s32 @!p0 $0x0, s1;
	[sflag:s0] =	ssyncset.done @!p0 $0x0  }
0xc7: {  	[sflag:s0] =	ssyncadd.s32 @!p0 s1  }
0xc8: {  	[bflag:$0x3] =	sbarrier.arrive $0xFFFF  }
0xc9: {  	_ =	shalt  }

</sc_bundles>
